<compile_context>
chip_gen: v7x
topology: tpu7x:2x2x1
jax: 0.10.2.dev20260603
libtpu: 0.0.44.dev20260713+nightly
codegen_flags: <defaults>
</compile_context>

<pallas_src>
import functools

import jax
import jax.numpy as jnp
from jax import lax
from jax.experimental import pallas as pl
from jax.experimental.pallas import tpu as pltpu
from jax.experimental.pallas import tpu_sc as plsc

_NUM_CORES = 2
_NUM_SUBCORES = 16
_NUM_WORKERS = _NUM_CORES * _NUM_SUBCORES
_NBUF = 2
_BUF_ROWS = 56


def _chunk_schedule(rows_per_worker):
    sizes = []
    left = rows_per_worker
    while left > _BUF_ROWS:
        sizes.append(_BUF_ROWS)
        left -= _BUF_ROWS
    sizes.append(left)
    return sizes


def _sc_body(batch, rows_per_worker, table_hbm, out_hbm, *scratch):
    bufs = scratch[:_NBUF]
    lsems = scratch[_NBUF:2 * _NBUF]
    ssems = scratch[2 * _NBUF:3 * _NBUF]
    wid = lax.axis_index("s") * _NUM_CORES + lax.axis_index("c")
    base = wid * rows_per_worker
    sizes = _chunk_schedule(rows_per_worker)
    offs = [0]
    for s in sizes:
        offs.append(offs[-1] + s)
    nch = len(sizes)

    loads = [None] * nch
    stores = [[] for _ in range(nch)]
    loads[0] = pltpu.async_copy(
        table_hbm.at[pl.ds(base, sizes[0])], bufs[0].at[pl.ds(0, sizes[0])],
        lsems[0])
    for c in range(nch):
        pb = c % _NBUF
        if c + 1 < nch:
            for d in stores[c + 1 - _NBUF] if c + 1 >= _NBUF else ():
                d.wait()
            loads[c + 1] = pltpu.async_copy(
                table_hbm.at[pl.ds(base + offs[c + 1], sizes[c + 1])],
                bufs[(c + 1) % _NBUF].at[pl.ds(0, sizes[c + 1])],
                lsems[(c + 1) % _NBUF])
        loads[c].wait()
        r0 = base + offs[c]
        for j in range(batch):
            b = (j + wid) % batch
            stores[c].append(pltpu.async_copy(
                bufs[pb].at[pl.ds(0, sizes[c])],
                out_hbm.at[b, pl.ds(r0, sizes[c])], ssems[pb]))
    for c in range(max(0, nch - _NBUF), nch):
        for d in stores[c]:
            d.wait()


def kernel(sequence, table):
    batch, seq_len = sequence.shape
    hidden = table.shape[1]
    rows_per_worker = seq_len // _NUM_WORKERS

    mesh = plsc.VectorSubcoreMesh(core_axis_name="c", subcore_axis_name="s")
    scratch = (
        [pltpu.VMEM((_BUF_ROWS, hidden), table.dtype) for _ in range(_NBUF)]
        + [pltpu.SemaphoreType.DMA for _ in range(2 * _NBUF)]
    )
    sc_kernel = pl.kernel(
        functools.partial(_sc_body, batch, rows_per_worker),
        out_type=jax.ShapeDtypeStruct((batch, seq_len, hidden), table.dtype),
        mesh=mesh,
        scratch_types=scratch,
    )
    return sc_kernel(table)

# --- scband reference (transcript-rebuilt; emitter-appended) ---
"""Pipeline reference for scband-conex-embedding-56805237457349 (READ-ONLY COPY).

The authoritative reference and input builder live on the scoring server;
editing this copy changes nothing except your own understanding.
"""

import jax, jax.numpy as jnp
import numpy as np

MAX_LEN = 8192
HIDDEN = 1024
BATCH = 4
SEQ_LEN = 8192

def setup_inputs(seed: int = 0):
    key = jax.random.key(seed)
    k1, k2 = jax.random.split(key)
    sequence = jax.random.randint(k1, (BATCH, SEQ_LEN), 0, MAX_LEN, dtype=jnp.int32)
    table = jax.random.normal(k2, (MAX_LEN, HIDDEN), dtype=jnp.float32)
    return {"sequence": sequence, "table": table}

def reference(sequence, table):
    # Faithful translation of ConexEmbedding.forward:
    # positions = buffer arange(max_len)[:seq_len], broadcast over batch,
    # then positional embedding lookup.
    batch_size, seq_len = sequence.shape
    positions = jnp.arange(table.shape[0], dtype=jnp.int32)[:seq_len]
    positions = jnp.broadcast_to(positions[None, :], (batch_size, seq_len))
    return jnp.take(table, positions, axis=0)

if __name__ == "__main__":
    import jax
    _d = setup_inputs()
    print(jax.jit(kernel)(*tuple(_d.values())))

</pallas_src>

<mosaic_0001>
#map = affine_map<(d0, d1) -> (0, 0)>
#map1 = affine_map<(d0, d1) -> (0, 0, 0)>
module attributes {stable_mosaic.version = 14 : i64} {
  func.func @_sc_body(%arg0: i32, %arg1: i32, %arg2: memref<8192x1024xf32, #tpu.memory_space<hbm>>, %arg3: memref<4x8192x1024xf32, #tpu.memory_space<hbm>>, %arg4: memref<56x1024xf32, #tpu.memory_space<vmem>>, %arg5: memref<56x1024xf32, #tpu.memory_space<vmem>>, %arg6: memref<!tpu.dma_semaphore, #tpu.memory_space<semaphore_mem>>, %arg7: memref<!tpu.dma_semaphore, #tpu.memory_space<semaphore_mem>>, %arg8: memref<!tpu.dma_semaphore, #tpu.memory_space<semaphore_mem>>, %arg9: memref<!tpu.dma_semaphore, #tpu.memory_space<semaphore_mem>>) attributes {dimension_semantics = [#tpu.dimension_semantics<core_parallel>, #tpu.dimension_semantics<subcore_parallel>], iteration_bounds = array<i64: 2, 16>, scalar_prefetch = 0 : i64, scratch_operands = 6 : i64, tpu.core_type = #tpu.core_type<sc_vector_subcore>, window_params = [{transform_indices = #map}, {transform_indices = #map1}]} {
    %mul3A = arith.constant 2 : i32
    %mul3A_0 = arith.muli %arg1, %mul3A : i32
    %add3A = arith.addi %mul3A_0, %arg0 : i32
    %mul3A_1 = arith.constant 256 : i32
    %mul3A_2 = arith.muli %add3A, %mul3A_1 : i32
    %dma_start3A = arith.constant 0 : i32
    %dma_start3A_3 = arith.constant 0 : i32
    %dma_start3A_4 = tpu.memref_slice %arg4[%dma_start3A, %dma_start3A_3] : memref<56x1024xf32, #tpu.memory_space<vmem>> -> memref<56x1024xf32, #tpu.memory_space<vmem>>
    %dma_start3A_5 = arith.constant 0 : i32
    %dma_start3A_6 = tpu.memref_slice %arg2[%mul3A_2, %dma_start3A_5] : memref<8192x1024xf32, #tpu.memory_space<hbm>> -> memref<56x1024xf32, #tpu.memory_space<hbm>>
    %dma_start3A_7 = arith.constant 0 : i32
    %dma_start3A_8 = arith.constant 0 : i32
    %dma_start3A_9 = tpu.memref_slice %arg4[%dma_start3A_7, %dma_start3A_8] : memref<56x1024xf32, #tpu.memory_space<vmem>> -> memref<56x1024xf32, #tpu.memory_space<vmem>>
    %dma_start3A_10 = arith.constant 0 : i32
    %dma_start3A_11 = tpu.memref_slice %arg2[%mul3A_2, %dma_start3A_10] : memref<8192x1024xf32, #tpu.memory_space<hbm>> -> memref<56x1024xf32, #tpu.memory_space<hbm>>
    tpu.enqueue_dma source(%dma_start3A_11 : memref<56x1024xf32, #tpu.memory_space<hbm>>) target(%dma_start3A_9 : memref<56x1024xf32, #tpu.memory_space<vmem>>) target_semaphore(%arg6 : memref<!tpu.dma_semaphore, #tpu.memory_space<semaphore_mem>>)
    %add3A_12 = arith.constant 56 : i32
    %add3A_13 = arith.addi %mul3A_2, %add3A_12 : i32
    %dma_start3A_14 = arith.constant 0 : i32
    %dma_start3A_15 = arith.constant 0 : i32
    %dma_start3A_16 = tpu.memref_slice %arg5[%dma_start3A_14, %dma_start3A_15] : memref<56x1024xf32, #tpu.memory_space<vmem>> -> memref<56x1024xf32, #tpu.memory_space<vmem>>
    %dma_start3A_17 = arith.constant 0 : i32
    %dma_start3A_18 = tpu.memref_slice %arg2[%add3A_13, %dma_start3A_17] : memref<8192x1024xf32, #tpu.memory_space<hbm>> -> memref<56x1024xf32, #tpu.memory_space<hbm>>
    %dma_start3A_19 = arith.constant 0 : i32
    %dma_start3A_20 = arith.constant 0 : i32
    %dma_start3A_21 = tpu.memref_slice %arg5[%dma_start3A_19, %dma_start3A_20] : memref<56x1024xf32, #tpu.memory_space<vmem>> -> memref<56x1024xf32, #tpu.memory_space<vmem>>
    %dma_start3A_22 = arith.constant 0 : i32
    %dma_start3A_23 = tpu.memref_slice %arg2[%add3A_13, %dma_start3A_22] : memref<8192x1024xf32, #tpu.memory_space<hbm>> -> memref<56x1024xf32, #tpu.memory_space<hbm>>
    tpu.enqueue_dma source(%dma_start3A_23 : memref<56x1024xf32, #tpu.memory_space<hbm>>) target(%dma_start3A_21 : memref<56x1024xf32, #tpu.memory_space<vmem>>) target_semaphore(%arg7 : memref<!tpu.dma_semaphore, #tpu.memory_space<semaphore_mem>>)
    %dma_wait3A = arith.constant 0 : i32
    %dma_wait3A_24 = arith.constant 0 : i32
    %dma_wait3A_25 = tpu.memref_slice %arg4[%dma_wait3A, %dma_wait3A_24] : memref<56x1024xf32, #tpu.memory_space<vmem>> -> memref<56x1024xf32, #tpu.memory_space<vmem>>
    %dma_wait3A_26 = arith.constant 0 : i32
    %dma_wait3A_27 = tpu.memref_slice %arg2[%mul3A_2, %dma_wait3A_26] : memref<8192x1024xf32, #tpu.memory_space<hbm>> -> memref<56x1024xf32, #tpu.memory_space<hbm>>
    %dma_wait3A_28 = arith.constant 0 : i32
    %dma_wait3A_29 = arith.constant 0 : i32
    %dma_wait3A_30 = tpu.memref_slice %arg4[%dma_wait3A_28, %dma_wait3A_29] : memref<56x1024xf32, #tpu.memory_space<vmem>> -> memref<56x1024xf32, #tpu.memory_space<vmem>>
    %dma_wait3A_31 = arith.constant 0 : i32
    %dma_wait3A_32 = tpu.memref_slice %arg2[%mul3A_2, %dma_wait3A_31] : memref<8192x1024xf32, #tpu.memory_space<hbm>> -> memref<56x1024xf32, #tpu.memory_space<hbm>>
    tpu.wait_dma2 semaphore(%arg6 : memref<!tpu.dma_semaphore, #tpu.memory_space<semaphore_mem>>) src(%dma_wait3A_32 : memref<56x1024xf32, #tpu.memory_space<hbm>>) dst(%dma_wait3A_30 : memref<56x1024xf32, #tpu.memory_space<vmem>>)
    %add3A_33 = arith.constant 0 : i32
    %add3A_34 = arith.addi %mul3A_2, %add3A_33 : i32
    %add3A_35 = arith.constant 0 : i32
    %add3A_36 = arith.addi %add3A_35, %add3A : i32
    %jit3A = arith.constant 4 : i32
    %eq3A = arith.constant 0 : i32
    %eq3A_37 = arith.cmpi eq, %jit3A, %eq3A : i32
    %jit3A_38 = arith.constant 1 : i32
    %select_n3A = arith.select %eq3A_37, %jit3A_38, %jit3A : i32
    %rem3A = arith.remsi %add3A_36, %select_n3A : i32
    %ne3A = arith.constant 0 : i32
    %ne3A_39 = arith.cmpi ne, %rem3A, %ne3A : i32
    %lt3A = arith.constant 0 : i32
    %lt3A_40 = arith.cmpi slt, %rem3A, %lt3A : i32
    %lt3A_41 = arith.constant 0 : i32
    %lt3A_42 = arith.cmpi slt, %select_n3A, %lt3A_41 : i32
    %ne3A_43 = arith.xori %lt3A_40, %lt3A_42 : i1
    %and3A = arith.andi %ne3A_43, %ne3A_39 : i1
    %add3A_44 = arith.addi %rem3A, %select_n3A : i32
    %select_n3A_45 = arith.select %and3A, %add3A_44, %rem3A : i32
    %dma_start3A_46 = arith.constant 0 : i32
    %dma_start3A_47 = arith.constant 0 : i32
    %dma_start3A_48 = tpu.memref_slice %arg4[%dma_start3A_46, %dma_start3A_47] : memref<56x1024xf32, #tpu.memory_space<vmem>> -> memref<56x1024xf32, #tpu.memory_space<vmem>>
    %dma_start3A_49 = arith.constant 0 : i32
    %dma_start3A_50 = tpu.memref_slice %arg3[%select_n3A_45, %add3A_34, %dma_start3A_49] : memref<4x8192x1024xf32, #tpu.memory_space<hbm>> -> memref<1x56x1024xf32, #tpu.memory_space<hbm>>
    %dma_start3A_51 = tpu.memref_squeeze %dma_start3A_50 : memref<1x56x1024xf32, #tpu.memory_space<hbm>> -> memref<56x1024xf32, #tpu.memory_space<hbm>>
    %dma_start3A_52 = arith.constant 0 : i32
    %dma_start3A_53 = tpu.memref_slice %arg3[%select_n3A_45, %add3A_34, %dma_start3A_52] : memref<4x8192x1024xf32, #tpu.memory_space<hbm>> -> memref<1x56x1024xf32, #tpu.memory_space<hbm>>
    %dma_start3A_54 = tpu.memref_squeeze %dma_start3A_53 : memref<1x56x1024xf32, #tpu.memory_space<hbm>> -> memref<56x1024xf32, #tpu.memory_space<hbm>>
    %dma_start3A_55 = arith.constant 0 : i32
    %dma_start3A_56 = arith.constant 0 : i32
    %dma_start3A_57 = tpu.memref_slice %arg4[%dma_start3A_55, %dma_start3A_56] : memref<56x1024xf32, #tpu.memory_space<vmem>> -> memref<56x1024xf32, #tpu.memory_space<vmem>>
    tpu.enqueue_dma source(%dma_start3A_57 : memref<56x1024xf32, #tpu.memory_space<vmem>>) target(%dma_start3A_54 : memref<56x1024xf32, #tpu.memory_space<hbm>>) target_semaphore(%arg8 : memref<!tpu.dma_semaphore, #tpu.memory_space<semaphore_mem>>)
    %add3A_58 = arith.constant 1 : i32
    %add3A_59 = arith.addi %add3A_58, %add3A : i32
    %jit3A_60 = arith.constant 4 : i32
    %eq3A_61 = arith.constant 0 : i32
    %eq3A_62 = arith.cmpi eq, %jit3A_60, %eq3A_61 : i32
    %jit3A_63 = arith.constant 1 : i32
    %select_n3A_64 = arith.select %eq3A_62, %jit3A_63, %jit3A_60 : i32
    %rem3A_65 = arith.remsi %add3A_59, %select_n3A_64 : i32
    %ne3A_66 = arith.constant 0 : i32
    %ne3A_67 = arith.cmpi ne, %rem3A_65, %ne3A_66 : i32
    %lt3A_68 = arith.constant 0 : i32
    %lt3A_69 = arith.cmpi slt, %rem3A_65, %lt3A_68 : i32
    %lt3A_70 = arith.constant 0 : i32
    %lt3A_71 = arith.cmpi slt, %select_n3A_64, %lt3A_70 : i32
    %ne3A_72 = arith.xori %lt3A_69, %lt3A_71 : i1
    %and3A_73 = arith.andi %ne3A_72, %ne3A_67 : i1
    %add3A_74 = arith.addi %rem3A_65, %select_n3A_64 : i32
    %select_n3A_75 = arith.select %and3A_73, %add3A_74, %rem3A_65 : i32
    %dma_start3A_76 = arith.constant 0 : i32
    %dma_start3A_77 = arith.constant 0 : i32
    %dma_start3A_78 = tpu.memref_slice %arg4[%dma_start3A_76, %dma_start3A_77] : memref<56x1024xf32, #tpu.memory_space<vmem>> -> memref<56x1024xf32, #tpu.memory_space<vmem>>
    %dma_start3A_79 = arith.constant 0 : i32
    %dma_start3A_80 = tpu.memref_slice %arg3[%select_n3A_75, %add3A_34, %dma_start3A_79] : memref<4x8192x1024xf32, #tpu.memory_space<hbm>> -> memref<1x56x1024xf32, #tpu.memory_space<hbm>>
    %dma_start3A_81 = tpu.memref_squeeze %dma_start3A_80 : memref<1x56x1024xf32, #tpu.memory_space<hbm>> -> memref<56x1024xf32, #tpu.memory_space<hbm>>
    %dma_start3A_82 = arith.constant 0 : i32
    %dma_start3A_83 = tpu.memref_slice %arg3[%select_n3A_75, %add3A_34, %dma_start3A_82] : memref<4x8192x1024xf32, #tpu.memory_space<hbm>> -> memref<1x56x1024xf32, #tpu.memory_space<hbm>>
    %dma_start3A_84 = tpu.memref_squeeze %dma_start3A_83 : memref<1x56x1024xf32, #tpu.memory_space<hbm>> -> memref<56x1024xf32, #tpu.memory_space<hbm>>
    %dma_start3A_85 = arith.constant 0 : i32
    %dma_start3A_86 = arith.constant 0 : i32
    %dma_start3A_87 = tpu.memref_slice %arg4[%dma_start3A_85, %dma_start3A_86] : memref<56x1024xf32, #tpu.memory_space<vmem>> -> memref<56x1024xf32, #tpu.memory_space<vmem>>
    tpu.enqueue_dma source(%dma_start3A_87 : memref<56x1024xf32, #tpu.memory_space<vmem>>) target(%dma_start3A_84 : memref<56x1024xf32, #tpu.memory_space<hbm>>) target_semaphore(%arg8 : memref<!tpu.dma_semaphore, #tpu.memory_space<semaphore_mem>>)
    %add3A_88 = arith.constant 2 : i32
    %add3A_89 = arith.addi %add3A_88, %add3A : i32
    %jit3A_90 = arith.constant 4 : i32
    %eq3A_91 = arith.constant 0 : i32
    %eq3A_92 = arith.cmpi eq, %jit3A_90, %eq3A_91 : i32
    %jit3A_93 = arith.constant 1 : i32
    %select_n3A_94 = arith.select %eq3A_92, %jit3A_93, %jit3A_90 : i32
    %rem3A_95 = arith.remsi %add3A_89, %select_n3A_94 : i32
    %ne3A_96 = arith.constant 0 : i32
    %ne3A_97 = arith.cmpi ne, %rem3A_95, %ne3A_96 : i32
    %lt3A_98 = arith.constant 0 : i32
    %lt3A_99 = arith.cmpi slt, %rem3A_95, %lt3A_98 : i32
    %lt3A_100 = arith.constant 0 : i32
    %lt3A_101 = arith.cmpi slt, %select_n3A_94, %lt3A_100 : i32
    %ne3A_102 = arith.xori %lt3A_99, %lt3A_101 : i1
    %and3A_103 = arith.andi %ne3A_102, %ne3A_97 : i1
    %add3A_104 = arith.addi %rem3A_95, %select_n3A_94 : i32
    %select_n3A_105 = arith.select %and3A_103, %add3A_104, %rem3A_95 : i32
    %dma_start3A_106 = arith.constant 0 : i32
    %dma_start3A_107 = arith.constant 0 : i32
    %dma_start3A_108 = tpu.memref_slice %arg4[%dma_start3A_106, %dma_start3A_107] : memref<56x1024xf32, #tpu.memory_space<vmem>> -> memref<56x1024xf32, #tpu.memory_space<vmem>>
    %dma_start3A_109 = arith.constant 0 : i32
    %dma_start3A_110 = tpu.memref_slice %arg3[%select_n3A_105, %add3A_34, %dma_start3A_109] : memref<4x8192x1024xf32, #tpu.memory_space<hbm>> -> memref<1x56x1024xf32, #tpu.memory_space<hbm>>
    %dma_start3A_111 = tpu.memref_squeeze %dma_start3A_110 : memref<1x56x1024xf32, #tpu.memory_space<hbm>> -> memref<56x1024xf32, #tpu.memory_space<hbm>>
    %dma_start3A_112 = arith.constant 0 : i32
    %dma_start3A_113 = tpu.memref_slice %arg3[%select_n3A_105, %add3A_34, %dma_start3A_112] : memref<4x8192x1024xf32, #tpu.memory_space<hbm>> -> memref<1x56x1024xf32, #tpu.memory_space<hbm>>
    %dma_start3A_114 = tpu.memref_squeeze %dma_start3A_113 : memref<1x56x1024xf32, #tpu.memory_space<hbm>> -> memref<56x1024xf32, #tpu.memory_space<hbm>>
    %dma_start3A_115 = arith.constant 0 : i32
    %dma_start3A_116 = arith.constant 0 : i32
    %dma_start3A_117 = tpu.memref_slice %arg4[%dma_start3A_115, %dma_start3A_116] : memref<56x1024xf32, #tpu.memory_space<vmem>> -> memref<56x1024xf32, #tpu.memory_space<vmem>>
    tpu.enqueue_dma source(%dma_start3A_117 : memref<56x1024xf32, #tpu.memory_space<vmem>>) target(%dma_start3A_114 : memref<56x1024xf32, #tpu.memory_space<hbm>>) target_semaphore(%arg8 : memref<!tpu.dma_semaphore, #tpu.memory_space<semaphore_mem>>)
    %add3A_118 = arith.constant 3 : i32
    %add3A_119 = arith.addi %add3A_118, %add3A : i32
    %jit3A_120 = arith.constant 4 : i32
    %eq3A_121 = arith.constant 0 : i32
    %eq3A_122 = arith.cmpi eq, %jit3A_120, %eq3A_121 : i32
    %jit3A_123 = arith.constant 1 : i32
    %select_n3A_124 = arith.select %eq3A_122, %jit3A_123, %jit3A_120 : i32
    %rem3A_125 = arith.remsi %add3A_119, %select_n3A_124 : i32
    %ne3A_126 = arith.constant 0 : i32
    %ne3A_127 = arith.cmpi ne, %rem3A_125, %ne3A_126 : i32
    %lt3A_128 = arith.constant 0 : i32
    %lt3A_129 = arith.cmpi slt, %rem3A_125, %lt3A_128 : i32
    %lt3A_130 = arith.constant 0 : i32
    %lt3A_131 = arith.cmpi slt, %select_n3A_124, %lt3A_130 : i32
    %ne3A_132 = arith.xori %lt3A_129, %lt3A_131 : i1
    %and3A_133 = arith.andi %ne3A_132, %ne3A_127 : i1
    %add3A_134 = arith.addi %rem3A_125, %select_n3A_124 : i32
    %select_n3A_135 = arith.select %and3A_133, %add3A_134, %rem3A_125 : i32
    %dma_start3A_136 = arith.constant 0 : i32
    %dma_start3A_137 = arith.constant 0 : i32
    %dma_start3A_138 = tpu.memref_slice %arg4[%dma_start3A_136, %dma_start3A_137] : memref<56x1024xf32, #tpu.memory_space<vmem>> -> memref<56x1024xf32, #tpu.memory_space<vmem>>
    %dma_start3A_139 = arith.constant 0 : i32
    %dma_start3A_140 = tpu.memref_slice %arg3[%select_n3A_135, %add3A_34, %dma_start3A_139] : memref<4x8192x1024xf32, #tpu.memory_space<hbm>> -> memref<1x56x1024xf32, #tpu.memory_space<hbm>>
    %dma_start3A_141 = tpu.memref_squeeze %dma_start3A_140 : memref<1x56x1024xf32, #tpu.memory_space<hbm>> -> memref<56x1024xf32, #tpu.memory_space<hbm>>
    %dma_start3A_142 = arith.constant 0 : i32
    %dma_start3A_143 = tpu.memref_slice %arg3[%select_n3A_135, %add3A_34, %dma_start3A_142] : memref<4x8192x1024xf32, #tpu.memory_space<hbm>> -> memref<1x56x1024xf32, #tpu.memory_space<hbm>>
    %dma_start3A_144 = tpu.memref_squeeze %dma_start3A_143 : memref<1x56x1024xf32, #tpu.memory_space<hbm>> -> memref<56x1024xf32, #tpu.memory_space<hbm>>
    %dma_start3A_145 = arith.constant 0 : i32
    %dma_start3A_146 = arith.constant 0 : i32
    %dma_start3A_147 = tpu.memref_slice %arg4[%dma_start3A_145, %dma_start3A_146] : memref<56x1024xf32, #tpu.memory_space<vmem>> -> memref<56x1024xf32, #tpu.memory_space<vmem>>
    tpu.enqueue_dma source(%dma_start3A_147 : memref<56x1024xf32, #tpu.memory_space<vmem>>) target(%dma_start3A_144 : memref<56x1024xf32, #tpu.memory_space<hbm>>) target_semaphore(%arg8 : memref<!tpu.dma_semaphore, #tpu.memory_space<semaphore_mem>>)
    %dma_wait3A_148 = arith.constant 0 : i32
    %dma_wait3A_149 = arith.constant 0 : i32
    %dma_wait3A_150 = tpu.memref_slice %arg4[%dma_wait3A_148, %dma_wait3A_149] : memref<56x1024xf32, #tpu.memory_space<vmem>> -> memref<56x1024xf32, #tpu.memory_space<vmem>>
    %dma_wait3A_151 = arith.constant 0 : i32
    %dma_wait3A_152 = tpu.memref_slice %arg3[%select_n3A_45, %add3A_34, %dma_wait3A_151] : memref<4x8192x1024xf32, #tpu.memory_space<hbm>> -> memref<1x56x1024xf32, #tpu.memory_space<hbm>>
    %dma_wait3A_153 = tpu.memref_squeeze %dma_wait3A_152 : memref<1x56x1024xf32, #tpu.memory_space<hbm>> -> memref<56x1024xf32, #tpu.memory_space<hbm>>
    %dma_wait3A_154 = arith.constant 0 : i32
    %dma_wait3A_155 = tpu.memref_slice %arg3[%select_n3A_45, %add3A_34, %dma_wait3A_154] : memref<4x8192x1024xf32, #tpu.memory_space<hbm>> -> memref<1x56x1024xf32, #tpu.memory_space<hbm>>
    %dma_wait3A_156 = tpu.memref_squeeze %dma_wait3A_155 : memref<1x56x1024xf32, #tpu.memory_space<hbm>> -> memref<56x1024xf32, #tpu.memory_space<hbm>>
    %dma_wait3A_157 = arith.constant 0 : i32
    %dma_wait3A_158 = arith.constant 0 : i32
    %dma_wait3A_159 = tpu.memref_slice %arg4[%dma_wait3A_157, %dma_wait3A_158] : memref<56x1024xf32, #tpu.memory_space<vmem>> -> memref<56x1024xf32, #tpu.memory_space<vmem>>
    tpu.wait_dma2 semaphore(%arg8 : memref<!tpu.dma_semaphore, #tpu.memory_space<semaphore_mem>>) src(%dma_wait3A_159 : memref<56x1024xf32, #tpu.memory_space<vmem>>) dst(%dma_wait3A_156 : memref<56x1024xf32, #tpu.memory_space<hbm>>)
    %dma_wait3A_160 = arith.constant 0 : i32
    %dma_wait3A_161 = arith.constant 0 : i32
    %dma_wait3A_162 = tpu.memref_slice %arg4[%dma_wait3A_160, %dma_wait3A_161] : memref<56x1024xf32, #tpu.memory_space<vmem>> -> memref<56x1024xf32, #tpu.memory_space<vmem>>
    %dma_wait3A_163 = arith.constant 0 : i32
    %dma_wait3A_164 = tpu.memref_slice %arg3[%select_n3A_75, %add3A_34, %dma_wait3A_163] : memref<4x8192x1024xf32, #tpu.memory_space<hbm>> -> memref<1x56x1024xf32, #tpu.memory_space<hbm>>
    %dma_wait3A_165 = tpu.memref_squeeze %dma_wait3A_164 : memref<1x56x1024xf32, #tpu.memory_space<hbm>> -> memref<56x1024xf32, #tpu.memory_space<hbm>>
    %dma_wait3A_166 = arith.constant 0 : i32
    %dma_wait3A_167 = tpu.memref_slice %arg3[%select_n3A_75, %add3A_34, %dma_wait3A_166] : memref<4x8192x1024xf32, #tpu.memory_space<hbm>> -> memref<1x56x1024xf32, #tpu.memory_space<hbm>>
    %dma_wait3A_168 = tpu.memref_squeeze %dma_wait3A_167 : memref<1x56x1024xf32, #tpu.memory_space<hbm>> -> memref<56x1024xf32, #tpu.memory_space<hbm>>
    %dma_wait3A_169 = arith.constant 0 : i32
    %dma_wait3A_170 = arith.constant 0 : i32
    %dma_wait3A_171 = tpu.memref_slice %arg4[%dma_wait3A_169, %dma_wait3A_170] : memref<56x1024xf32, #tpu.memory_space<vmem>> -> memref<56x1024xf32, #tpu.memory_space<vmem>>
    tpu.wait_dma2 semaphore(%arg8 : memref<!tpu.dma_semaphore, #tpu.memory_space<semaphore_mem>>) src(%dma_wait3A_171 : memref<56x1024xf32, #tpu.memory_space<vmem>>) dst(%dma_wait3A_168 : memref<56x1024xf32, #tpu.memory_space<hbm>>)
    %dma_wait3A_172 = arith.constant 0 : i32
    %dma_wait3A_173 = arith.constant 0 : i32
    %dma_wait3A_174 = tpu.memref_slice %arg4[%dma_wait3A_172, %dma_wait3A_173] : memref<56x1024xf32, #tpu.memory_space<vmem>> -> memref<56x1024xf32, #tpu.memory_space<vmem>>
    %dma_wait3A_175 = arith.constant 0 : i32
    %dma_wait3A_176 = tpu.memref_slice %arg3[%select_n3A_105, %add3A_34, %dma_wait3A_175] : memref<4x8192x1024xf32, #tpu.memory_space<hbm>> -> memref<1x56x1024xf32, #tpu.memory_space<hbm>>
    %dma_wait3A_177 = tpu.memref_squeeze %dma_wait3A_176 : memref<1x56x1024xf32, #tpu.memory_space<hbm>> -> memref<56x1024xf32, #tpu.memory_space<hbm>>
    %dma_wait3A_178 = arith.constant 0 : i32
    %dma_wait3A_179 = tpu.memref_slice %arg3[%select_n3A_105, %add3A_34, %dma_wait3A_178] : memref<4x8192x1024xf32, #tpu.memory_space<hbm>> -> memref<1x56x1024xf32, #tpu.memory_space<hbm>>
    %dma_wait3A_180 = tpu.memref_squeeze %dma_wait3A_179 : memref<1x56x1024xf32, #tpu.memory_space<hbm>> -> memref<56x1024xf32, #tpu.memory_space<hbm>>
    %dma_wait3A_181 = arith.constant 0 : i32
    %dma_wait3A_182 = arith.constant 0 : i32
    %dma_wait3A_183 = tpu.memref_slice %arg4[%dma_wait3A_181, %dma_wait3A_182] : memref<56x1024xf32, #tpu.memory_space<vmem>> -> memref<56x1024xf32, #tpu.memory_space<vmem>>
    tpu.wait_dma2 semaphore(%arg8 : memref<!tpu.dma_semaphore, #tpu.memory_space<semaphore_mem>>) src(%dma_wait3A_183 : memref<56x1024xf32, #tpu.memory_space<vmem>>) dst(%dma_wait3A_180 : memref<56x1024xf32, #tpu.memory_space<hbm>>)
    %dma_wait3A_184 = arith.constant 0 : i32
    %dma_wait3A_185 = arith.constant 0 : i32
    %dma_wait3A_186 = tpu.memref_slice %arg4[%dma_wait3A_184, %dma_wait3A_185] : memref<56x1024xf32, #tpu.memory_space<vmem>> -> memref<56x1024xf32, #tpu.memory_space<vmem>>
    %dma_wait3A_187 = arith.constant 0 : i32
    %dma_wait3A_188 = tpu.memref_slice %arg3[%select_n3A_135, %add3A_34, %dma_wait3A_187] : memref<4x8192x1024xf32, #tpu.memory_space<hbm>> -> memref<1x56x1024xf32, #tpu.memory_space<hbm>>
    %dma_wait3A_189 = tpu.memref_squeeze %dma_wait3A_188 : memref<1x56x1024xf32, #tpu.memory_space<hbm>> -> memref<56x1024xf32, #tpu.memory_space<hbm>>
    %dma_wait3A_190 = arith.constant 0 : i32
    %dma_wait3A_191 = tpu.memref_slice %arg3[%select_n3A_135, %add3A_34, %dma_wait3A_190] : memref<4x8192x1024xf32, #tpu.memory_space<hbm>> -> memref<1x56x1024xf32, #tpu.memory_space<hbm>>
    %dma_wait3A_192 = tpu.memref_squeeze %dma_wait3A_191 : memref<1x56x1024xf32, #tpu.memory_space<hbm>> -> memref<56x1024xf32, #tpu.memory_space<hbm>>
    %dma_wait3A_193 = arith.constant 0 : i32
    %dma_wait3A_194 = arith.constant 0 : i32
    %dma_wait3A_195 = tpu.memref_slice %arg4[%dma_wait3A_193, %dma_wait3A_194] : memref<56x1024xf32, #tpu.memory_space<vmem>> -> memref<56x1024xf32, #tpu.memory_space<vmem>>
    tpu.wait_dma2 semaphore(%arg8 : memref<!tpu.dma_semaphore, #tpu.memory_space<semaphore_mem>>) src(%dma_wait3A_195 : memref<56x1024xf32, #tpu.memory_space<vmem>>) dst(%dma_wait3A_192 : memref<56x1024xf32, #tpu.memory_space<hbm>>)
    %add3A_196 = arith.constant 112 : i32
    %add3A_197 = arith.addi %mul3A_2, %add3A_196 : i32
    %dma_start3A_198 = arith.constant 0 : i32
    %dma_start3A_199 = arith.constant 0 : i32
    %dma_start3A_200 = tpu.memref_slice %arg4[%dma_start3A_198, %dma_start3A_199] : memref<56x1024xf32, #tpu.memory_space<vmem>> -> memref<56x1024xf32, #tpu.memory_space<vmem>>
    %dma_start3A_201 = arith.constant 0 : i32
    %dma_start3A_202 = tpu.memref_slice %arg2[%add3A_197, %dma_start3A_201] : memref<8192x1024xf32, #tpu.memory_space<hbm>> -> memref<56x1024xf32, #tpu.memory_space<hbm>>
    %dma_start3A_203 = arith.constant 0 : i32
    %dma_start3A_204 = arith.constant 0 : i32
    %dma_start3A_205 = tpu.memref_slice %arg4[%dma_start3A_203, %dma_start3A_204] : memref<56x1024xf32, #tpu.memory_space<vmem>> -> memref<56x1024xf32, #tpu.memory_space<vmem>>
    %dma_start3A_206 = arith.constant 0 : i32
    %dma_start3A_207 = tpu.memref_slice %arg2[%add3A_197, %dma_start3A_206] : memref<8192x1024xf32, #tpu.memory_space<hbm>> -> memref<56x1024xf32, #tpu.memory_space<hbm>>
    tpu.enqueue_dma source(%dma_start3A_207 : memref<56x1024xf32, #tpu.memory_space<hbm>>) target(%dma_start3A_205 : memref<56x1024xf32, #tpu.memory_space<vmem>>) target_semaphore(%arg6 : memref<!tpu.dma_semaphore, #tpu.memory_space<semaphore_mem>>)
    %dma_wait3A_208 = arith.constant 0 : i32
    %dma_wait3A_209 = arith.constant 0 : i32
    %dma_wait3A_210 = tpu.memref_slice %arg5[%dma_wait3A_208, %dma_wait3A_209] : memref<56x1024xf32, #tpu.memory_space<vmem>> -> memref<56x1024xf32, #tpu.memory_space<vmem>>
    %dma_wait3A_211 = arith.constant 0 : i32
    %dma_wait3A_212 = tpu.memref_slice %arg2[%add3A_13, %dma_wait3A_211] : memref<8192x1024xf32, #tpu.memory_space<hbm>> -> memref<56x1024xf32, #tpu.memory_space<hbm>>
    %dma_wait3A_213 = arith.constant 0 : i32
    %dma_wait3A_214 = arith.constant 0 : i32
    %dma_wait3A_215 = tpu.memref_slice %arg5[%dma_wait3A_213, %dma_wait3A_214] : memref<56x1024xf32, #tpu.memory_space<vmem>> -> memref<56x1024xf32, #tpu.memory_space<vmem>>
    %dma_wait3A_216 = arith.constant 0 : i32
    %dma_wait3A_217 = tpu.memref_slice %arg2[%add3A_13, %dma_wait3A_216] : memref<8192x1024xf32, #tpu.memory_space<hbm>> -> memref<56x1024xf32, #tpu.memory_space<hbm>>
    tpu.wait_dma2 semaphore(%arg7 : memref<!tpu.dma_semaphore, #tpu.memory_space<semaphore_mem>>) src(%dma_wait3A_217 : memref<56x1024xf32, #tpu.memory_space<hbm>>) dst(%dma_wait3A_215 : memref<56x1024xf32, #tpu.memory_space<vmem>>)
    %add3A_218 = arith.constant 56 : i32
    %add3A_219 = arith.addi %mul3A_2, %add3A_218 : i32
    %add3A_220 = arith.constant 0 : i32
    %add3A_221 = arith.addi %add3A_220, %add3A : i32
    %jit3A_222 = arith.constant 4 : i32
    %eq3A_223 = arith.constant 0 : i32
    %eq3A_224 = arith.cmpi eq, %jit3A_222, %eq3A_223 : i32
    %jit3A_225 = arith.constant 1 : i32
    %select_n3A_226 = arith.select %eq3A_224, %jit3A_225, %jit3A_222 : i32
    %rem3A_227 = arith.remsi %add3A_221, %select_n3A_226 : i32
    %ne3A_228 = arith.constant 0 : i32
    %ne3A_229 = arith.cmpi ne, %rem3A_227, %ne3A_228 : i32
    %lt3A_230 = arith.constant 0 : i32
    %lt3A_231 = arith.cmpi slt, %rem3A_227, %lt3A_230 : i32
    %lt3A_232 = arith.constant 0 : i32
    %lt3A_233 = arith.cmpi slt, %select_n3A_226, %lt3A_232 : i32
    %ne3A_234 = arith.xori %lt3A_231, %lt3A_233 : i1
    %and3A_235 = arith.andi %ne3A_234, %ne3A_229 : i1
    %add3A_236 = arith.addi %rem3A_227, %select_n3A_226 : i32
    %select_n3A_237 = arith.select %and3A_235, %add3A_236, %rem3A_227 : i32
    %dma_start3A_238 = arith.constant 0 : i32
    %dma_start3A_239 = arith.constant 0 : i32
    %dma_start3A_240 = tpu.memref_slice %arg5[%dma_start3A_238, %dma_start3A_239] : memref<56x1024xf32, #tpu.memory_space<vmem>> -> memref<56x1024xf32, #tpu.memory_space<vmem>>
    %dma_start3A_241 = arith.constant 0 : i32
    %dma_start3A_242 = tpu.memref_slice %arg3[%select_n3A_237, %add3A_219, %dma_start3A_241] : memref<4x8192x1024xf32, #tpu.memory_space<hbm>> -> memref<1x56x1024xf32, #tpu.memory_space<hbm>>
    %dma_start3A_243 = tpu.memref_squeeze %dma_start3A_242 : memref<1x56x1024xf32, #tpu.memory_space<hbm>> -> memref<56x1024xf32, #tpu.memory_space<hbm>>
    %dma_start3A_244 = arith.constant 0 : i32
    %dma_start3A_245 = tpu.memref_slice %arg3[%select_n3A_237, %add3A_219, %dma_start3A_244] : memref<4x8192x1024xf32, #tpu.memory_space<hbm>> -> memref<1x56x1024xf32, #tpu.memory_space<hbm>>
    %dma_start3A_246 = tpu.memref_squeeze %dma_start3A_245 : memref<1x56x1024xf32, #tpu.memory_space<hbm>> -> memref<56x1024xf32, #tpu.memory_space<hbm>>
    %dma_start3A_247 = arith.constant 0 : i32
    %dma_start3A_248 = arith.constant 0 : i32
    %dma_start3A_249 = tpu.memref_slice %arg5[%dma_start3A_247, %dma_start3A_248] : memref<56x1024xf32, #tpu.memory_space<vmem>> -> memref<56x1024xf32, #tpu.memory_space<vmem>>
    tpu.enqueue_dma source(%dma_start3A_249 : memref<56x1024xf32, #tpu.memory_space<vmem>>) target(%dma_start3A_246 : memref<56x1024xf32, #tpu.memory_space<hbm>>) target_semaphore(%arg9 : memref<!tpu.dma_semaphore, #tpu.memory_space<semaphore_mem>>)
    %add3A_250 = arith.constant 1 : i32
    %add3A_251 = arith.addi %add3A_250, %add3A : i32
    %jit3A_252 = arith.constant 4 : i32
    %eq3A_253 = arith.constant 0 : i32
    %eq3A_254 = arith.cmpi eq, %jit3A_252, %eq3A_253 : i32
    %jit3A_255 = arith.constant 1 : i32
    %select_n3A_256 = arith.select %eq3A_254, %jit3A_255, %jit3A_252 : i32
    %rem3A_257 = arith.remsi %add3A_251, %select_n3A_256 : i32
    %ne3A_258 = arith.constant 0 : i32
    %ne3A_259 = arith.cmpi ne, %rem3A_257, %ne3A_258 : i32
    %lt3A_260 = arith.constant 0 : i32
    %lt3A_261 = arith.cmpi slt, %rem3A_257, %lt3A_260 : i32
    %lt3A_262 = arith.constant 0 : i32
    %lt3A_263 = arith.cmpi slt, %select_n3A_256, %lt3A_262 : i32
    %ne3A_264 = arith.xori %lt3A_261, %lt3A_263 : i1
    %and3A_265 = arith.andi %ne3A_264, %ne3A_259 : i1
    %add3A_266 = arith.addi %rem3A_257, %select_n3A_256 : i32
    %select_n3A_267 = arith.select %and3A_265, %add3A_266, %rem3A_257 : i32
    %dma_start3A_268 = arith.constant 0 : i32
    %dma_start3A_269 = arith.constant 0 : i32
    %dma_start3A_270 = tpu.memref_slice %arg5[%dma_start3A_268, %dma_start3A_269] : memref<56x1024xf32, #tpu.memory_space<vmem>> -> memref<56x1024xf32, #tpu.memory_space<vmem>>
    %dma_start3A_271 = arith.constant 0 : i32
    %dma_start3A_272 = tpu.memref_slice %arg3[%select_n3A_267, %add3A_219, %dma_start3A_271] : memref<4x8192x1024xf32, #tpu.memory_space<hbm>> -> memref<1x56x1024xf32, #tpu.memory_space<hbm>>
    %dma_start3A_273 = tpu.memref_squeeze %dma_start3A_272 : memref<1x56x1024xf32, #tpu.memory_space<hbm>> -> memref<56x1024xf32, #tpu.memory_space<hbm>>
    %dma_start3A_274 = arith.constant 0 : i32
    %dma_start3A_275 = tpu.memref_slice %arg3[%select_n3A_267, %add3A_219, %dma_start3A_274] : memref<4x8192x1024xf32, #tpu.memory_space<hbm>> -> memref<1x56x1024xf32, #tpu.memory_space<hbm>>
    %dma_start3A_276 = tpu.memref_squeeze %dma_start3A_275 : memref<1x56x1024xf32, #tpu.memory_space<hbm>> -> memref<56x1024xf32, #tpu.memory_space<hbm>>
    %dma_start3A_277 = arith.constant 0 : i32
    %dma_start3A_278 = arith.constant 0 : i32
    %dma_start3A_279 = tpu.memref_slice %arg5[%dma_start3A_277, %dma_start3A_278] : memref<56x1024xf32, #tpu.memory_space<vmem>> -> memref<56x1024xf32, #tpu.memory_space<vmem>>
    tpu.enqueue_dma source(%dma_start3A_279 : memref<56x1024xf32, #tpu.memory_space<vmem>>) target(%dma_start3A_276 : memref<56x1024xf32, #tpu.memory_space<hbm>>) target_semaphore(%arg9 : memref<!tpu.dma_semaphore, #tpu.memory_space<semaphore_mem>>)
    %add3A_280 = arith.constant 2 : i32
    %add3A_281 = arith.addi %add3A_280, %add3A : i32
    %jit3A_282 = arith.constant 4 : i32
    %eq3A_283 = arith.constant 0 : i32
    %eq3A_284 = arith.cmpi eq, %jit3A_282, %eq3A_283 : i32
    %jit3A_285 = arith.constant 1 : i32
    %select_n3A_286 = arith.select %eq3A_284, %jit3A_285, %jit3A_282 : i32
    %rem3A_287 = arith.remsi %add3A_281, %select_n3A_286 : i32
    %ne3A_288 = arith.constant 0 : i32
    %ne3A_289 = arith.cmpi ne, %rem3A_287, %ne3A_288 : i32
    %lt3A_290 = arith.constant 0 : i32
    %lt3A_291 = arith.cmpi slt, %rem3A_287, %lt3A_290 : i32
    %lt3A_292 = arith.constant 0 : i32
    %lt3A_293 = arith.cmpi slt, %select_n3A_286, %lt3A_292 : i32
    %ne3A_294 = arith.xori %lt3A_291, %lt3A_293 : i1
    %and3A_295 = arith.andi %ne3A_294, %ne3A_289 : i1
    %add3A_296 = arith.addi %rem3A_287, %select_n3A_286 : i32
    %select_n3A_297 = arith.select %and3A_295, %add3A_296, %rem3A_287 : i32
    %dma_start3A_298 = arith.constant 0 : i32
    %dma_start3A_299 = arith.constant 0 : i32
    %dma_start3A_300 = tpu.memref_slice %arg5[%dma_start3A_298, %dma_start3A_299] : memref<56x1024xf32, #tpu.memory_space<vmem>> -> memref<56x1024xf32, #tpu.memory_space<vmem>>
    %dma_start3A_301 = arith.constant 0 : i32
    %dma_start3A_302 = tpu.memref_slice %arg3[%select_n3A_297, %add3A_219, %dma_start3A_301] : memref<4x8192x1024xf32, #tpu.memory_space<hbm>> -> memref<1x56x1024xf32, #tpu.memory_space<hbm>>
    %dma_start3A_303 = tpu.memref_squeeze %dma_start3A_302 : memref<1x56x1024xf32, #tpu.memory_space<hbm>> -> memref<56x1024xf32, #tpu.memory_space<hbm>>
    %dma_start3A_304 = arith.constant 0 : i32
    %dma_start3A_305 = tpu.memref_slice %arg3[%select_n3A_297, %add3A_219, %dma_start3A_304] : memref<4x8192x1024xf32, #tpu.memory_space<hbm>> -> memref<1x56x1024xf32, #tpu.memory_space<hbm>>
    %dma_start3A_306 = tpu.memref_squeeze %dma_start3A_305 : memref<1x56x1024xf32, #tpu.memory_space<hbm>> -> memref<56x1024xf32, #tpu.memory_space<hbm>>
    %dma_start3A_307 = arith.constant 0 : i32
    %dma_start3A_308 = arith.constant 0 : i32
    %dma_start3A_309 = tpu.memref_slice %arg5[%dma_start3A_307, %dma_start3A_308] : memref<56x1024xf32, #tpu.memory_space<vmem>> -> memref<56x1024xf32, #tpu.memory_space<vmem>>
    tpu.enqueue_dma source(%dma_start3A_309 : memref<56x1024xf32, #tpu.memory_space<vmem>>) target(%dma_start3A_306 : memref<56x1024xf32, #tpu.memory_space<hbm>>) target_semaphore(%arg9 : memref<!tpu.dma_semaphore, #tpu.memory_space<semaphore_mem>>)
    %add3A_310 = arith.constant 3 : i32
    %add3A_311 = arith.addi %add3A_310, %add3A : i32
    %jit3A_312 = arith.constant 4 : i32
    %eq3A_313 = arith.constant 0 : i32
    %eq3A_314 = arith.cmpi eq, %jit3A_312, %eq3A_313 : i32
    %jit3A_315 = arith.constant 1 : i32
    %select_n3A_316 = arith.select %eq3A_314, %jit3A_315, %jit3A_312 : i32
    %rem3A_317 = arith.remsi %add3A_311, %select_n3A_316 : i32
    %ne3A_318 = arith.constant 0 : i32
    %ne3A_319 = arith.cmpi ne, %rem3A_317, %ne3A_318 : i32
    %lt3A_320 = arith.constant 0 : i32
    %lt3A_321 = arith.cmpi slt, %rem3A_317, %lt3A_320 : i32
    %lt3A_322 = arith.constant 0 : i32
    %lt3A_323 = arith.cmpi slt, %select_n3A_316, %lt3A_322 : i32
    %ne3A_324 = arith.xori %lt3A_321, %lt3A_323 : i1
    %and3A_325 = arith.andi %ne3A_324, %ne3A_319 : i1
    %add3A_326 = arith.addi %rem3A_317, %select_n3A_316 : i32
    %select_n3A_327 = arith.select %and3A_325, %add3A_326, %rem3A_317 : i32
    %dma_start3A_328 = arith.constant 0 : i32
    %dma_start3A_329 = arith.constant 0 : i32
    %dma_start3A_330 = tpu.memref_slice %arg5[%dma_start3A_328, %dma_start3A_329] : memref<56x1024xf32, #tpu.memory_space<vmem>> -> memref<56x1024xf32, #tpu.memory_space<vmem>>
    %dma_start3A_331 = arith.constant 0 : i32
    %dma_start3A_332 = tpu.memref_slice %arg3[%select_n3A_327, %add3A_219, %dma_start3A_331] : memref<4x8192x1024xf32, #tpu.memory_space<hbm>> -> memref<1x56x1024xf32, #tpu.memory_space<hbm>>
    %dma_start3A_333 = tpu.memref_squeeze %dma_start3A_332 : memref<1x56x1024xf32, #tpu.memory_space<hbm>> -> memref<56x1024xf32, #tpu.memory_space<hbm>>
    %dma_start3A_334 = arith.constant 0 : i32
    %dma_start3A_335 = tpu.memref_slice %arg3[%select_n3A_327, %add3A_219, %dma_start3A_334] : memref<4x8192x1024xf32, #tpu.memory_space<hbm>> -> memref<1x56x1024xf32, #tpu.memory_space<hbm>>
    %dma_start3A_336 = tpu.memref_squeeze %dma_start3A_335 : memref<1x56x1024xf32, #tpu.memory_space<hbm>> -> memref<56x1024xf32, #tpu.memory_space<hbm>>
    %dma_start3A_337 = arith.constant 0 : i32
    %dma_start3A_338 = arith.constant 0 : i32
    %dma_start3A_339 = tpu.memref_slice %arg5[%dma_start3A_337, %dma_start3A_338] : memref<56x1024xf32, #tpu.memory_space<vmem>> -> memref<56x1024xf32, #tpu.memory_space<vmem>>
    tpu.enqueue_dma source(%dma_start3A_339 : memref<56x1024xf32, #tpu.memory_space<vmem>>) target(%dma_start3A_336 : memref<56x1024xf32, #tpu.memory_space<hbm>>) target_semaphore(%arg9 : memref<!tpu.dma_semaphore, #tpu.memory_space<semaphore_mem>>)
    %dma_wait3A_340 = arith.constant 0 : i32
    %dma_wait3A_341 = arith.constant 0 : i32
    %dma_wait3A_342 = tpu.memref_slice %arg5[%dma_wait3A_340, %dma_wait3A_341] : memref<56x1024xf32, #tpu.memory_space<vmem>> -> memref<56x1024xf32, #tpu.memory_space<vmem>>
    %dma_wait3A_343 = arith.constant 0 : i32
    %dma_wait3A_344 = tpu.memref_slice %arg3[%select_n3A_237, %add3A_219, %dma_wait3A_343] : memref<4x8192x1024xf32, #tpu.memory_space<hbm>> -> memref<1x56x1024xf32, #tpu.memory_space<hbm>>
    %dma_wait3A_345 = tpu.memref_squeeze %dma_wait3A_344 : memref<1x56x1024xf32, #tpu.memory_space<hbm>> -> memref<56x1024xf32, #tpu.memory_space<hbm>>
    %dma_wait3A_346 = arith.constant 0 : i32
    %dma_wait3A_347 = tpu.memref_slice %arg3[%select_n3A_237, %add3A_219, %dma_wait3A_346] : memref<4x8192x1024xf32, #tpu.memory_space<hbm>> -> memref<1x56x1024xf32, #tpu.memory_space<hbm>>
    %dma_wait3A_348 = tpu.memref_squeeze %dma_wait3A_347 : memref<1x56x1024xf32, #tpu.memory_space<hbm>> -> memref<56x1024xf32, #tpu.memory_space<hbm>>
    %dma_wait3A_349 = arith.constant 0 : i32
    %dma_wait3A_350 = arith.constant 0 : i32
    %dma_wait3A_351 = tpu.memref_slice %arg5[%dma_wait3A_349, %dma_wait3A_350] : memref<56x1024xf32, #tpu.memory_space<vmem>> -> memref<56x1024xf32, #tpu.memory_space<vmem>>
    tpu.wait_dma2 semaphore(%arg9 : memref<!tpu.dma_semaphore, #tpu.memory_space<semaphore_mem>>) src(%dma_wait3A_351 : memref<56x1024xf32, #tpu.memory_space<vmem>>) dst(%dma_wait3A_348 : memref<56x1024xf32, #tpu.memory_space<hbm>>)
    %dma_wait3A_352 = arith.constant 0 : i32
    %dma_wait3A_353 = arith.constant 0 : i32
    %dma_wait3A_354 = tpu.memref_slice %arg5[%dma_wait3A_352, %dma_wait3A_353] : memref<56x1024xf32, #tpu.memory_space<vmem>> -> memref<56x1024xf32, #tpu.memory_space<vmem>>
    %dma_wait3A_355 = arith.constant 0 : i32
    %dma_wait3A_356 = tpu.memref_slice %arg3[%select_n3A_267, %add3A_219, %dma_wait3A_355] : memref<4x8192x1024xf32, #tpu.memory_space<hbm>> -> memref<1x56x1024xf32, #tpu.memory_space<hbm>>
    %dma_wait3A_357 = tpu.memref_squeeze %dma_wait3A_356 : memref<1x56x1024xf32, #tpu.memory_space<hbm>> -> memref<56x1024xf32, #tpu.memory_space<hbm>>
    %dma_wait3A_358 = arith.constant 0 : i32
    %dma_wait3A_359 = tpu.memref_slice %arg3[%select_n3A_267, %add3A_219, %dma_wait3A_358] : memref<4x8192x1024xf32, #tpu.memory_space<hbm>> -> memref<1x56x1024xf32, #tpu.memory_space<hbm>>
    %dma_wait3A_360 = tpu.memref_squeeze %dma_wait3A_359 : memref<1x56x1024xf32, #tpu.memory_space<hbm>> -> memref<56x1024xf32, #tpu.memory_space<hbm>>
    %dma_wait3A_361 = arith.constant 0 : i32
    %dma_wait3A_362 = arith.constant 0 : i32
    %dma_wait3A_363 = tpu.memref_slice %arg5[%dma_wait3A_361, %dma_wait3A_362] : memref<56x1024xf32, #tpu.memory_space<vmem>> -> memref<56x1024xf32, #tpu.memory_space<vmem>>
    tpu.wait_dma2 semaphore(%arg9 : memref<!tpu.dma_semaphore, #tpu.memory_space<semaphore_mem>>) src(%dma_wait3A_363 : memref<56x1024xf32, #tpu.memory_space<vmem>>) dst(%dma_wait3A_360 : memref<56x1024xf32, #tpu.memory_space<hbm>>)
    %dma_wait3A_364 = arith.constant 0 : i32
    %dma_wait3A_365 = arith.constant 0 : i32
    %dma_wait3A_366 = tpu.memref_slice %arg5[%dma_wait3A_364, %dma_wait3A_365] : memref<56x1024xf32, #tpu.memory_space<vmem>> -> memref<56x1024xf32, #tpu.memory_space<vmem>>
    %dma_wait3A_367 = arith.constant 0 : i32
    %dma_wait3A_368 = tpu.memref_slice %arg3[%select_n3A_297, %add3A_219, %dma_wait3A_367] : memref<4x8192x1024xf32, #tpu.memory_space<hbm>> -> memref<1x56x1024xf32, #tpu.memory_space<hbm>>
    %dma_wait3A_369 = tpu.memref_squeeze %dma_wait3A_368 : memref<1x56x1024xf32, #tpu.memory_space<hbm>> -> memref<56x1024xf32, #tpu.memory_space<hbm>>
    %dma_wait3A_370 = arith.constant 0 : i32
    %dma_wait3A_371 = tpu.memref_slice %arg3[%select_n3A_297, %add3A_219, %dma_wait3A_370] : memref<4x8192x1024xf32, #tpu.memory_space<hbm>> -> memref<1x56x1024xf32, #tpu.memory_space<hbm>>
    %dma_wait3A_372 = tpu.memref_squeeze %dma_wait3A_371 : memref<1x56x1024xf32, #tpu.memory_space<hbm>> -> memref<56x1024xf32, #tpu.memory_space<hbm>>
    %dma_wait3A_373 = arith.constant 0 : i32
    %dma_wait3A_374 = arith.constant 0 : i32
    %dma_wait3A_375 = tpu.memref_slice %arg5[%dma_wait3A_373, %dma_wait3A_374] : memref<56x1024xf32, #tpu.memory_space<vmem>> -> memref<56x1024xf32, #tpu.memory_space<vmem>>
    tpu.wait_dma2 semaphore(%arg9 : memref<!tpu.dma_semaphore, #tpu.memory_space<semaphore_mem>>) src(%dma_wait3A_375 : memref<56x1024xf32, #tpu.memory_space<vmem>>) dst(%dma_wait3A_372 : memref<56x1024xf32, #tpu.memory_space<hbm>>)
    %dma_wait3A_376 = arith.constant 0 : i32
    %dma_wait3A_377 = arith.constant 0 : i32
    %dma_wait3A_378 = tpu.memref_slice %arg5[%dma_wait3A_376, %dma_wait3A_377] : memref<56x1024xf32, #tpu.memory_space<vmem>> -> memref<56x1024xf32, #tpu.memory_space<vmem>>
    %dma_wait3A_379 = arith.constant 0 : i32
    %dma_wait3A_380 = tpu.memref_slice %arg3[%select_n3A_327, %add3A_219, %dma_wait3A_379] : memref<4x8192x1024xf32, #tpu.memory_space<hbm>> -> memref<1x56x1024xf32, #tpu.memory_space<hbm>>
    %dma_wait3A_381 = tpu.memref_squeeze %dma_wait3A_380 : memref<1x56x1024xf32, #tpu.memory_space<hbm>> -> memref<56x1024xf32, #tpu.memory_space<hbm>>
    %dma_wait3A_382 = arith.constant 0 : i32
    %dma_wait3A_383 = tpu.memref_slice %arg3[%select_n3A_327, %add3A_219, %dma_wait3A_382] : memref<4x8192x1024xf32, #tpu.memory_space<hbm>> -> memref<1x56x1024xf32, #tpu.memory_space<hbm>>
    %dma_wait3A_384 = tpu.memref_squeeze %dma_wait3A_383 : memref<1x56x1024xf32, #tpu.memory_space<hbm>> -> memref<56x1024xf32, #tpu.memory_space<hbm>>
    %dma_wait3A_385 = arith.constant 0 : i32
    %dma_wait3A_386 = arith.constant 0 : i32
    %dma_wait3A_387 = tpu.memref_slice %arg5[%dma_wait3A_385, %dma_wait3A_386] : memref<56x1024xf32, #tpu.memory_space<vmem>> -> memref<56x1024xf32, #tpu.memory_space<vmem>>
    tpu.wait_dma2 semaphore(%arg9 : memref<!tpu.dma_semaphore, #tpu.memory_space<semaphore_mem>>) src(%dma_wait3A_387 : memref<56x1024xf32, #tpu.memory_space<vmem>>) dst(%dma_wait3A_384 : memref<56x1024xf32, #tpu.memory_space<hbm>>)
    %add3A_388 = arith.constant 168 : i32
    %add3A_389 = arith.addi %mul3A_2, %add3A_388 : i32
    %dma_start3A_390 = arith.constant 0 : i32
    %dma_start3A_391 = arith.constant 0 : i32
    %dma_start3A_392 = tpu.memref_slice %arg5[%dma_start3A_390, %dma_start3A_391] : memref<56x1024xf32, #tpu.memory_space<vmem>> -> memref<56x1024xf32, #tpu.memory_space<vmem>>
    %dma_start3A_393 = arith.constant 0 : i32
    %dma_start3A_394 = tpu.memref_slice %arg2[%add3A_389, %dma_start3A_393] : memref<8192x1024xf32, #tpu.memory_space<hbm>> -> memref<56x1024xf32, #tpu.memory_space<hbm>>
    %dma_start3A_395 = arith.constant 0 : i32
    %dma_start3A_396 = arith.constant 0 : i32
    %dma_start3A_397 = tpu.memref_slice %arg5[%dma_start3A_395, %dma_start3A_396] : memref<56x1024xf32, #tpu.memory_space<vmem>> -> memref<56x1024xf32, #tpu.memory_space<vmem>>
    %dma_start3A_398 = arith.constant 0 : i32
    %dma_start3A_399 = tpu.memref_slice %arg2[%add3A_389, %dma_start3A_398] : memref<8192x1024xf32, #tpu.memory_space<hbm>> -> memref<56x1024xf32, #tpu.memory_space<hbm>>
    tpu.enqueue_dma source(%dma_start3A_399 : memref<56x1024xf32, #tpu.memory_space<hbm>>) target(%dma_start3A_397 : memref<56x1024xf32, #tpu.memory_space<vmem>>) target_semaphore(%arg7 : memref<!tpu.dma_semaphore, #tpu.memory_space<semaphore_mem>>)
    %dma_wait3A_400 = arith.constant 0 : i32
    %dma_wait3A_401 = arith.constant 0 : i32
    %dma_wait3A_402 = tpu.memref_slice %arg4[%dma_wait3A_400, %dma_wait3A_401] : memref<56x1024xf32, #tpu.memory_space<vmem>> -> memref<56x1024xf32, #tpu.memory_space<vmem>>
    %dma_wait3A_403 = arith.constant 0 : i32
    %dma_wait3A_404 = tpu.memref_slice %arg2[%add3A_197, %dma_wait3A_403] : memref<8192x1024xf32, #tpu.memory_space<hbm>> -> memref<56x1024xf32, #tpu.memory_space<hbm>>
    %dma_wait3A_405 = arith.constant 0 : i32
    %dma_wait3A_406 = arith.constant 0 : i32
    %dma_wait3A_407 = tpu.memref_slice %arg4[%dma_wait3A_405, %dma_wait3A_406] : memref<56x1024xf32, #tpu.memory_space<vmem>> -> memref<56x1024xf32, #tpu.memory_space<vmem>>
    %dma_wait3A_408 = arith.constant 0 : i32
    %dma_wait3A_409 = tpu.memref_slice %arg2[%add3A_197, %dma_wait3A_408] : memref<8192x1024xf32, #tpu.memory_space<hbm>> -> memref<56x1024xf32, #tpu.memory_space<hbm>>
    tpu.wait_dma2 semaphore(%arg6 : memref<!tpu.dma_semaphore, #tpu.memory_space<semaphore_mem>>) src(%dma_wait3A_409 : memref<56x1024xf32, #tpu.memory_space<hbm>>) dst(%dma_wait3A_407 : memref<56x1024xf32, #tpu.memory_space<vmem>>)
    %add3A_410 = arith.constant 112 : i32
    %add3A_411 = arith.addi %mul3A_2, %add3A_410 : i32
    %add3A_412 = arith.constant 0 : i32
    %add3A_413 = arith.addi %add3A_412, %add3A : i32
    %jit3A_414 = arith.constant 4 : i32
    %eq3A_415 = arith.constant 0 : i32
    %eq3A_416 = arith.cmpi eq, %jit3A_414, %eq3A_415 : i32
    %jit3A_417 = arith.constant 1 : i32
    %select_n3A_418 = arith.select %eq3A_416, %jit3A_417, %jit3A_414 : i32
    %rem3A_419 = arith.remsi %add3A_413, %select_n3A_418 : i32
    %ne3A_420 = arith.constant 0 : i32
    %ne3A_421 = arith.cmpi ne, %rem3A_419, %ne3A_420 : i32
    %lt3A_422 = arith.constant 0 : i32
    %lt3A_423 = arith.cmpi slt, %rem3A_419, %lt3A_422 : i32
    %lt3A_424 = arith.constant 0 : i32
    %lt3A_425 = arith.cmpi slt, %select_n3A_418, %lt3A_424 : i32
    %ne3A_426 = arith.xori %lt3A_423, %lt3A_425 : i1
    %and3A_427 = arith.andi %ne3A_426, %ne3A_421 : i1
    %add3A_428 = arith.addi %rem3A_419, %select_n3A_418 : i32
    %select_n3A_429 = arith.select %and3A_427, %add3A_428, %rem3A_419 : i32
    %dma_start3A_430 = arith.constant 0 : i32
    %dma_start3A_431 = arith.constant 0 : i32
    %dma_start3A_432 = tpu.memref_slice %arg4[%dma_start3A_430, %dma_start3A_431] : memref<56x1024xf32, #tpu.memory_space<vmem>> -> memref<56x1024xf32, #tpu.memory_space<vmem>>
    %dma_start3A_433 = arith.constant 0 : i32
    %dma_start3A_434 = tpu.memref_slice %arg3[%select_n3A_429, %add3A_411, %dma_start3A_433] : memref<4x8192x1024xf32, #tpu.memory_space<hbm>> -> memref<1x56x1024xf32, #tpu.memory_space<hbm>>
    %dma_start3A_435 = tpu.memref_squeeze %dma_start3A_434 : memref<1x56x1024xf32, #tpu.memory_space<hbm>> -> memref<56x1024xf32, #tpu.memory_space<hbm>>
    %dma_start3A_436 = arith.constant 0 : i32
    %dma_start3A_437 = tpu.memref_slice %arg3[%select_n3A_429, %add3A_411, %dma_start3A_436] : memref<4x8192x1024xf32, #tpu.memory_space<hbm>> -> memref<1x56x1024xf32, #tpu.memory_space<hbm>>
    %dma_start3A_438 = tpu.memref_squeeze %dma_start3A_437 : memref<1x56x1024xf32, #tpu.memory_space<hbm>> -> memref<56x1024xf32, #tpu.memory_space<hbm>>
    %dma_start3A_439 = arith.constant 0 : i32
    %dma_start3A_440 = arith.constant 0 : i32
    %dma_start3A_441 = tpu.memref_slice %arg4[%dma_start3A_439, %dma_start3A_440] : memref<56x1024xf32, #tpu.memory_space<vmem>> -> memref<56x1024xf32, #tpu.memory_space<vmem>>
    tpu.enqueue_dma source(%dma_start3A_441 : memref<56x1024xf32, #tpu.memory_space<vmem>>) target(%dma_start3A_438 : memref<56x1024xf32, #tpu.memory_space<hbm>>) target_semaphore(%arg8 : memref<!tpu.dma_semaphore, #tpu.memory_space<semaphore_mem>>)
    %add3A_442 = arith.constant 1 : i32
    %add3A_443 = arith.addi %add3A_442, %add3A : i32
    %jit3A_444 = arith.constant 4 : i32
    %eq3A_445 = arith.constant 0 : i32
    %eq3A_446 = arith.cmpi eq, %jit3A_444, %eq3A_445 : i32
    %jit3A_447 = arith.constant 1 : i32
    %select_n3A_448 = arith.select %eq3A_446, %jit3A_447, %jit3A_444 : i32
    %rem3A_449 = arith.remsi %add3A_443, %select_n3A_448 : i32
    %ne3A_450 = arith.constant 0 : i32
    %ne3A_451 = arith.cmpi ne, %rem3A_449, %ne3A_450 : i32
    %lt3A_452 = arith.constant 0 : i32
    %lt3A_453 = arith.cmpi slt, %rem3A_449, %lt3A_452 : i32
    %lt3A_454 = arith.constant 0 : i32
    %lt3A_455 = arith.cmpi slt, %select_n3A_448, %lt3A_454 : i32
    %ne3A_456 = arith.xori %lt3A_453, %lt3A_455 : i1
    %and3A_457 = arith.andi %ne3A_456, %ne3A_451 : i1
    %add3A_458 = arith.addi %rem3A_449, %select_n3A_448 : i32
    %select_n3A_459 = arith.select %and3A_457, %add3A_458, %rem3A_449 : i32
    %dma_start3A_460 = arith.constant 0 : i32
    %dma_start3A_461 = arith.constant 0 : i32
    %dma_start3A_462 = tpu.memref_slice %arg4[%dma_start3A_460, %dma_start3A_461] : memref<56x1024xf32, #tpu.memory_space<vmem>> -> memref<56x1024xf32, #tpu.memory_space<vmem>>
    %dma_start3A_463 = arith.constant 0 : i32
    %dma_start3A_464 = tpu.memref_slice %arg3[%select_n3A_459, %add3A_411, %dma_start3A_463] : memref<4x8192x1024xf32, #tpu.memory_space<hbm>> -> memref<1x56x1024xf32, #tpu.memory_space<hbm>>
    %dma_start3A_465 = tpu.memref_squeeze %dma_start3A_464 : memref<1x56x1024xf32, #tpu.memory_space<hbm>> -> memref<56x1024xf32, #tpu.memory_space<hbm>>
    %dma_start3A_466 = arith.constant 0 : i32
    %dma_start3A_467 = tpu.memref_slice %arg3[%select_n3A_459, %add3A_411, %dma_start3A_466] : memref<4x8192x1024xf32, #tpu.memory_space<hbm>> -> memref<1x56x1024xf32, #tpu.memory_space<hbm>>
    %dma_start3A_468 = tpu.memref_squeeze %dma_start3A_467 : memref<1x56x1024xf32, #tpu.memory_space<hbm>> -> memref<56x1024xf32, #tpu.memory_space<hbm>>
    %dma_start3A_469 = arith.constant 0 : i32
    %dma_start3A_470 = arith.constant 0 : i32
    %dma_start3A_471 = tpu.memref_slice %arg4[%dma_start3A_469, %dma_start3A_470] : memref<56x1024xf32, #tpu.memory_space<vmem>> -> memref<56x1024xf32, #tpu.memory_space<vmem>>
    tpu.enqueue_dma source(%dma_start3A_471 : memref<56x1024xf32, #tpu.memory_space<vmem>>) target(%dma_start3A_468 : memref<56x1024xf32, #tpu.memory_space<hbm>>) target_semaphore(%arg8 : memref<!tpu.dma_semaphore, #tpu.memory_space<semaphore_mem>>)
    %add3A_472 = arith.constant 2 : i32
    %add3A_473 = arith.addi %add3A_472, %add3A : i32
    %jit3A_474 = arith.constant 4 : i32
    %eq3A_475 = arith.constant 0 : i32
    %eq3A_476 = arith.cmpi eq, %jit3A_474, %eq3A_475 : i32
    %jit3A_477 = arith.constant 1 : i32
    %select_n3A_478 = arith.select %eq3A_476, %jit3A_477, %jit3A_474 : i32
    %rem3A_479 = arith.remsi %add3A_473, %select_n3A_478 : i32
    %ne3A_480 = arith.constant 0 : i32
    %ne3A_481 = arith.cmpi ne, %rem3A_479, %ne3A_480 : i32
    %lt3A_482 = arith.constant 0 : i32
    %lt3A_483 = arith.cmpi slt, %rem3A_479, %lt3A_482 : i32
    %lt3A_484 = arith.constant 0 : i32
    %lt3A_485 = arith.cmpi slt, %select_n3A_478, %lt3A_484 : i32
    %ne3A_486 = arith.xori %lt3A_483, %lt3A_485 : i1
    %and3A_487 = arith.andi %ne3A_486, %ne3A_481 : i1
    %add3A_488 = arith.addi %rem3A_479, %select_n3A_478 : i32
    %select_n3A_489 = arith.select %and3A_487, %add3A_488, %rem3A_479 : i32
    %dma_start3A_490 = arith.constant 0 : i32
    %dma_start3A_491 = arith.constant 0 : i32
    %dma_start3A_492 = tpu.memref_slice %arg4[%dma_start3A_490, %dma_start3A_491] : memref<56x1024xf32, #tpu.memory_space<vmem>> -> memref<56x1024xf32, #tpu.memory_space<vmem>>
    %dma_start3A_493 = arith.constant 0 : i32
    %dma_start3A_494 = tpu.memref_slice %arg3[%select_n3A_489, %add3A_411, %dma_start3A_493] : memref<4x8192x1024xf32, #tpu.memory_space<hbm>> -> memref<1x56x1024xf32, #tpu.memory_space<hbm>>
    %dma_start3A_495 = tpu.memref_squeeze %dma_start3A_494 : memref<1x56x1024xf32, #tpu.memory_space<hbm>> -> memref<56x1024xf32, #tpu.memory_space<hbm>>
    %dma_start3A_496 = arith.constant 0 : i32
    %dma_start3A_497 = tpu.memref_slice %arg3[%select_n3A_489, %add3A_411, %dma_start3A_496] : memref<4x8192x1024xf32, #tpu.memory_space<hbm>> -> memref<1x56x1024xf32, #tpu.memory_space<hbm>>
    %dma_start3A_498 = tpu.memref_squeeze %dma_start3A_497 : memref<1x56x1024xf32, #tpu.memory_space<hbm>> -> memref<56x1024xf32, #tpu.memory_space<hbm>>
    %dma_start3A_499 = arith.constant 0 : i32
    %dma_start3A_500 = arith.constant 0 : i32
    %dma_start3A_501 = tpu.memref_slice %arg4[%dma_start3A_499, %dma_start3A_500] : memref<56x1024xf32, #tpu.memory_space<vmem>> -> memref<56x1024xf32, #tpu.memory_space<vmem>>
    tpu.enqueue_dma source(%dma_start3A_501 : memref<56x1024xf32, #tpu.memory_space<vmem>>) target(%dma_start3A_498 : memref<56x1024xf32, #tpu.memory_space<hbm>>) target_semaphore(%arg8 : memref<!tpu.dma_semaphore, #tpu.memory_space<semaphore_mem>>)
    %add3A_502 = arith.constant 3 : i32
    %add3A_503 = arith.addi %add3A_502, %add3A : i32
    %jit3A_504 = arith.constant 4 : i32
    %eq3A_505 = arith.constant 0 : i32
    %eq3A_506 = arith.cmpi eq, %jit3A_504, %eq3A_505 : i32
    %jit3A_507 = arith.constant 1 : i32
    %select_n3A_508 = arith.select %eq3A_506, %jit3A_507, %jit3A_504 : i32
    %rem3A_509 = arith.remsi %add3A_503, %select_n3A_508 : i32
    %ne3A_510 = arith.constant 0 : i32
    %ne3A_511 = arith.cmpi ne, %rem3A_509, %ne3A_510 : i32
    %lt3A_512 = arith.constant 0 : i32
    %lt3A_513 = arith.cmpi slt, %rem3A_509, %lt3A_512 : i32
    %lt3A_514 = arith.constant 0 : i32
    %lt3A_515 = arith.cmpi slt, %select_n3A_508, %lt3A_514 : i32
    %ne3A_516 = arith.xori %lt3A_513, %lt3A_515 : i1
    %and3A_517 = arith.andi %ne3A_516, %ne3A_511 : i1
    %add3A_518 = arith.addi %rem3A_509, %select_n3A_508 : i32
    %select_n3A_519 = arith.select %and3A_517, %add3A_518, %rem3A_509 : i32
    %dma_start3A_520 = arith.constant 0 : i32
    %dma_start3A_521 = arith.constant 0 : i32
    %dma_start3A_522 = tpu.memref_slice %arg4[%dma_start3A_520, %dma_start3A_521] : memref<56x1024xf32, #tpu.memory_space<vmem>> -> memref<56x1024xf32, #tpu.memory_space<vmem>>
    %dma_start3A_523 = arith.constant 0 : i32
    %dma_start3A_524 = tpu.memref_slice %arg3[%select_n3A_519, %add3A_411, %dma_start3A_523] : memref<4x8192x1024xf32, #tpu.memory_space<hbm>> -> memref<1x56x1024xf32, #tpu.memory_space<hbm>>
    %dma_start3A_525 = tpu.memref_squeeze %dma_start3A_524 : memref<1x56x1024xf32, #tpu.memory_space<hbm>> -> memref<56x1024xf32, #tpu.memory_space<hbm>>
    %dma_start3A_526 = arith.constant 0 : i32
    %dma_start3A_527 = tpu.memref_slice %arg3[%select_n3A_519, %add3A_411, %dma_start3A_526] : memref<4x8192x1024xf32, #tpu.memory_space<hbm>> -> memref<1x56x1024xf32, #tpu.memory_space<hbm>>
    %dma_start3A_528 = tpu.memref_squeeze %dma_start3A_527 : memref<1x56x1024xf32, #tpu.memory_space<hbm>> -> memref<56x1024xf32, #tpu.memory_space<hbm>>
    %dma_start3A_529 = arith.constant 0 : i32
    %dma_start3A_530 = arith.constant 0 : i32
    %dma_start3A_531 = tpu.memref_slice %arg4[%dma_start3A_529, %dma_start3A_530] : memref<56x1024xf32, #tpu.memory_space<vmem>> -> memref<56x1024xf32, #tpu.memory_space<vmem>>
    tpu.enqueue_dma source(%dma_start3A_531 : memref<56x1024xf32, #tpu.memory_space<vmem>>) target(%dma_start3A_528 : memref<56x1024xf32, #tpu.memory_space<hbm>>) target_semaphore(%arg8 : memref<!tpu.dma_semaphore, #tpu.memory_space<semaphore_mem>>)
    %dma_wait3A_532 = arith.constant 0 : i32
    %dma_wait3A_533 = arith.constant 0 : i32
    %dma_wait3A_534 = tpu.memref_slice %arg4[%dma_wait3A_532, %dma_wait3A_533] : memref<56x1024xf32, #tpu.memory_space<vmem>> -> memref<56x1024xf32, #tpu.memory_space<vmem>>
    %dma_wait3A_535 = arith.constant 0 : i32
    %dma_wait3A_536 = tpu.memref_slice %arg3[%select_n3A_429, %add3A_411, %dma_wait3A_535] : memref<4x8192x1024xf32, #tpu.memory_space<hbm>> -> memref<1x56x1024xf32, #tpu.memory_space<hbm>>
    %dma_wait3A_537 = tpu.memref_squeeze %dma_wait3A_536 : memref<1x56x1024xf32, #tpu.memory_space<hbm>> -> memref<56x1024xf32, #tpu.memory_space<hbm>>
    %dma_wait3A_538 = arith.constant 0 : i32
    %dma_wait3A_539 = tpu.memref_slice %arg3[%select_n3A_429, %add3A_411, %dma_wait3A_538] : memref<4x8192x1024xf32, #tpu.memory_space<hbm>> -> memref<1x56x1024xf32, #tpu.memory_space<hbm>>
    %dma_wait3A_540 = tpu.memref_squeeze %dma_wait3A_539 : memref<1x56x1024xf32, #tpu.memory_space<hbm>> -> memref<56x1024xf32, #tpu.memory_space<hbm>>
    %dma_wait3A_541 = arith.constant 0 : i32
    %dma_wait3A_542 = arith.constant 0 : i32
    %dma_wait3A_543 = tpu.memref_slice %arg4[%dma_wait3A_541, %dma_wait3A_542] : memref<56x1024xf32, #tpu.memory_space<vmem>> -> memref<56x1024xf32, #tpu.memory_space<vmem>>
    tpu.wait_dma2 semaphore(%arg8 : memref<!tpu.dma_semaphore, #tpu.memory_space<semaphore_mem>>) src(%dma_wait3A_543 : memref<56x1024xf32, #tpu.memory_space<vmem>>) dst(%dma_wait3A_540 : memref<56x1024xf32, #tpu.memory_space<hbm>>)
    %dma_wait3A_544 = arith.constant 0 : i32
    %dma_wait3A_545 = arith.constant 0 : i32
    %dma_wait3A_546 = tpu.memref_slice %arg4[%dma_wait3A_544, %dma_wait3A_545] : memref<56x1024xf32, #tpu.memory_space<vmem>> -> memref<56x1024xf32, #tpu.memory_space<vmem>>
    %dma_wait3A_547 = arith.constant 0 : i32
    %dma_wait3A_548 = tpu.memref_slice %arg3[%select_n3A_459, %add3A_411, %dma_wait3A_547] : memref<4x8192x1024xf32, #tpu.memory_space<hbm>> -> memref<1x56x1024xf32, #tpu.memory_space<hbm>>
    %dma_wait3A_549 = tpu.memref_squeeze %dma_wait3A_548 : memref<1x56x1024xf32, #tpu.memory_space<hbm>> -> memref<56x1024xf32, #tpu.memory_space<hbm>>
    %dma_wait3A_550 = arith.constant 0 : i32
    %dma_wait3A_551 = tpu.memref_slice %arg3[%select_n3A_459, %add3A_411, %dma_wait3A_550] : memref<4x8192x1024xf32, #tpu.memory_space<hbm>> -> memref<1x56x1024xf32, #tpu.memory_space<hbm>>
    %dma_wait3A_552 = tpu.memref_squeeze %dma_wait3A_551 : memref<1x56x1024xf32, #tpu.memory_space<hbm>> -> memref<56x1024xf32, #tpu.memory_space<hbm>>
    %dma_wait3A_553 = arith.constant 0 : i32
    %dma_wait3A_554 = arith.constant 0 : i32
    %dma_wait3A_555 = tpu.memref_slice %arg4[%dma_wait3A_553, %dma_wait3A_554] : memref<56x1024xf32, #tpu.memory_space<vmem>> -> memref<56x1024xf32, #tpu.memory_space<vmem>>
    tpu.wait_dma2 semaphore(%arg8 : memref<!tpu.dma_semaphore, #tpu.memory_space<semaphore_mem>>) src(%dma_wait3A_555 : memref<56x1024xf32, #tpu.memory_space<vmem>>) dst(%dma_wait3A_552 : memref<56x1024xf32, #tpu.memory_space<hbm>>)
    %dma_wait3A_556 = arith.constant 0 : i32
    %dma_wait3A_557 = arith.constant 0 : i32
    %dma_wait3A_558 = tpu.memref_slice %arg4[%dma_wait3A_556, %dma_wait3A_557] : memref<56x1024xf32, #tpu.memory_space<vmem>> -> memref<56x1024xf32, #tpu.memory_space<vmem>>
    %dma_wait3A_559 = arith.constant 0 : i32
    %dma_wait3A_560 = tpu.memref_slice %arg3[%select_n3A_489, %add3A_411, %dma_wait3A_559] : memref<4x8192x1024xf32, #tpu.memory_space<hbm>> -> memref<1x56x1024xf32, #tpu.memory_space<hbm>>
    %dma_wait3A_561 = tpu.memref_squeeze %dma_wait3A_560 : memref<1x56x1024xf32, #tpu.memory_space<hbm>> -> memref<56x1024xf32, #tpu.memory_space<hbm>>
    %dma_wait3A_562 = arith.constant 0 : i32
    %dma_wait3A_563 = tpu.memref_slice %arg3[%select_n3A_489, %add3A_411, %dma_wait3A_562] : memref<4x8192x1024xf32, #tpu.memory_space<hbm>> -> memref<1x56x1024xf32, #tpu.memory_space<hbm>>
    %dma_wait3A_564 = tpu.memref_squeeze %dma_wait3A_563 : memref<1x56x1024xf32, #tpu.memory_space<hbm>> -> memref<56x1024xf32, #tpu.memory_space<hbm>>
    %dma_wait3A_565 = arith.constant 0 : i32
    %dma_wait3A_566 = arith.constant 0 : i32
    %dma_wait3A_567 = tpu.memref_slice %arg4[%dma_wait3A_565, %dma_wait3A_566] : memref<56x1024xf32, #tpu.memory_space<vmem>> -> memref<56x1024xf32, #tpu.memory_space<vmem>>
    tpu.wait_dma2 semaphore(%arg8 : memref<!tpu.dma_semaphore, #tpu.memory_space<semaphore_mem>>) src(%dma_wait3A_567 : memref<56x1024xf32, #tpu.memory_space<vmem>>) dst(%dma_wait3A_564 : memref<56x1024xf32, #tpu.memory_space<hbm>>)
    %dma_wait3A_568 = arith.constant 0 : i32
    %dma_wait3A_569 = arith.constant 0 : i32
    %dma_wait3A_570 = tpu.memref_slice %arg4[%dma_wait3A_568, %dma_wait3A_569] : memref<56x1024xf32, #tpu.memory_space<vmem>> -> memref<56x1024xf32, #tpu.memory_space<vmem>>
    %dma_wait3A_571 = arith.constant 0 : i32
    %dma_wait3A_572 = tpu.memref_slice %arg3[%select_n3A_519, %add3A_411, %dma_wait3A_571] : memref<4x8192x1024xf32, #tpu.memory_space<hbm>> -> memref<1x56x1024xf32, #tpu.memory_space<hbm>>
    %dma_wait3A_573 = tpu.memref_squeeze %dma_wait3A_572 : memref<1x56x1024xf32, #tpu.memory_space<hbm>> -> memref<56x1024xf32, #tpu.memory_space<hbm>>
    %dma_wait3A_574 = arith.constant 0 : i32
    %dma_wait3A_575 = tpu.memref_slice %arg3[%select_n3A_519, %add3A_411, %dma_wait3A_574] : memref<4x8192x1024xf32, #tpu.memory_space<hbm>> -> memref<1x56x1024xf32, #tpu.memory_space<hbm>>
    %dma_wait3A_576 = tpu.memref_squeeze %dma_wait3A_575 : memref<1x56x1024xf32, #tpu.memory_space<hbm>> -> memref<56x1024xf32, #tpu.memory_space<hbm>>
    %dma_wait3A_577 = arith.constant 0 : i32
    %dma_wait3A_578 = arith.constant 0 : i32
    %dma_wait3A_579 = tpu.memref_slice %arg4[%dma_wait3A_577, %dma_wait3A_578] : memref<56x1024xf32, #tpu.memory_space<vmem>> -> memref<56x1024xf32, #tpu.memory_space<vmem>>
    tpu.wait_dma2 semaphore(%arg8 : memref<!tpu.dma_semaphore, #tpu.memory_space<semaphore_mem>>) src(%dma_wait3A_579 : memref<56x1024xf32, #tpu.memory_space<vmem>>) dst(%dma_wait3A_576 : memref<56x1024xf32, #tpu.memory_space<hbm>>)
    %add3A_580 = arith.constant 224 : i32
    %add3A_581 = arith.addi %mul3A_2, %add3A_580 : i32
    %dma_start3A_582 = arith.constant 0 : i32
    %dma_start3A_583 = arith.constant 0 : i32
    %dma_start3A_584 = tpu.memref_slice %arg4[%dma_start3A_582, %dma_start3A_583] : memref<56x1024xf32, #tpu.memory_space<vmem>> -> memref<32x1024xf32, #tpu.memory_space<vmem>>
    %dma_start3A_585 = arith.constant 0 : i32
    %dma_start3A_586 = tpu.memref_slice %arg2[%add3A_581, %dma_start3A_585] : memref<8192x1024xf32, #tpu.memory_space<hbm>> -> memref<32x1024xf32, #tpu.memory_space<hbm>>
    %dma_start3A_587 = arith.constant 0 : i32
    %dma_start3A_588 = arith.constant 0 : i32
    %dma_start3A_589 = tpu.memref_slice %arg4[%dma_start3A_587, %dma_start3A_588] : memref<56x1024xf32, #tpu.memory_space<vmem>> -> memref<32x1024xf32, #tpu.memory_space<vmem>>
    %dma_start3A_590 = arith.constant 0 : i32
    %dma_start3A_591 = tpu.memref_slice %arg2[%add3A_581, %dma_start3A_590] : memref<8192x1024xf32, #tpu.memory_space<hbm>> -> memref<32x1024xf32, #tpu.memory_space<hbm>>
    tpu.enqueue_dma source(%dma_start3A_591 : memref<32x1024xf32, #tpu.memory_space<hbm>>) target(%dma_start3A_589 : memref<32x1024xf32, #tpu.memory_space<vmem>>) target_semaphore(%arg6 : memref<!tpu.dma_semaphore, #tpu.memory_space<semaphore_mem>>)
    %dma_wait3A_592 = arith.constant 0 : i32
    %dma_wait3A_593 = arith.constant 0 : i32
    %dma_wait3A_594 = tpu.memref_slice %arg5[%dma_wait3A_592, %dma_wait3A_593] : memref<56x1024xf32, #tpu.memory_space<vmem>> -> memref<56x1024xf32, #tpu.memory_space<vmem>>
    %dma_wait3A_595 = arith.constant 0 : i32
    %dma_wait3A_596 = tpu.memref_slice %arg2[%add3A_389, %dma_wait3A_595] : memref<8192x1024xf32, #tpu.memory_space<hbm>> -> memref<56x1024xf32, #tpu.memory_space<hbm>>
    %dma_wait3A_597 = arith.constant 0 : i32
    %dma_wait3A_598 = arith.constant 0 : i32
    %dma_wait3A_599 = tpu.memref_slice %arg5[%dma_wait3A_597, %dma_wait3A_598] : memref<56x1024xf32, #tpu.memory_space<vmem>> -> memref<56x1024xf32, #tpu.memory_space<vmem>>
    %dma_wait3A_600 = arith.constant 0 : i32
    %dma_wait3A_601 = tpu.memref_slice %arg2[%add3A_389, %dma_wait3A_600] : memref<8192x1024xf32, #tpu.memory_space<hbm>> -> memref<56x1024xf32, #tpu.memory_space<hbm>>
    tpu.wait_dma2 semaphore(%arg7 : memref<!tpu.dma_semaphore, #tpu.memory_space<semaphore_mem>>) src(%dma_wait3A_601 : memref<56x1024xf32, #tpu.memory_space<hbm>>) dst(%dma_wait3A_599 : memref<56x1024xf32, #tpu.memory_space<vmem>>)
    %add3A_602 = arith.constant 168 : i32
    %add3A_603 = arith.addi %mul3A_2, %add3A_602 : i32
    %add3A_604 = arith.constant 0 : i32
    %add3A_605 = arith.addi %add3A_604, %add3A : i32
    %jit3A_606 = arith.constant 4 : i32
    %eq3A_607 = arith.constant 0 : i32
    %eq3A_608 = arith.cmpi eq, %jit3A_606, %eq3A_607 : i32
    %jit3A_609 = arith.constant 1 : i32
    %select_n3A_610 = arith.select %eq3A_608, %jit3A_609, %jit3A_606 : i32
    %rem3A_611 = arith.remsi %add3A_605, %select_n3A_610 : i32
    %ne3A_612 = arith.constant 0 : i32
    %ne3A_613 = arith.cmpi ne, %rem3A_611, %ne3A_612 : i32
    %lt3A_614 = arith.constant 0 : i32
    %lt3A_615 = arith.cmpi slt, %rem3A_611, %lt3A_614 : i32
    %lt3A_616 = arith.constant 0 : i32
    %lt3A_617 = arith.cmpi slt, %select_n3A_610, %lt3A_616 : i32
    %ne3A_618 = arith.xori %lt3A_615, %lt3A_617 : i1
    %and3A_619 = arith.andi %ne3A_618, %ne3A_613 : i1
    %add3A_620 = arith.addi %rem3A_611, %select_n3A_610 : i32
    %select_n3A_621 = arith.select %and3A_619, %add3A_620, %rem3A_611 : i32
    %dma_start3A_622 = arith.constant 0 : i32
    %dma_start3A_623 = arith.constant 0 : i32
    %dma_start3A_624 = tpu.memref_slice %arg5[%dma_start3A_622, %dma_start3A_623] : memref<56x1024xf32, #tpu.memory_space<vmem>> -> memref<56x1024xf32, #tpu.memory_space<vmem>>
    %dma_start3A_625 = arith.constant 0 : i32
    %dma_start3A_626 = tpu.memref_slice %arg3[%select_n3A_621, %add3A_603, %dma_start3A_625] : memref<4x8192x1024xf32, #tpu.memory_space<hbm>> -> memref<1x56x1024xf32, #tpu.memory_space<hbm>>
    %dma_start3A_627 = tpu.memref_squeeze %dma_start3A_626 : memref<1x56x1024xf32, #tpu.memory_space<hbm>> -> memref<56x1024xf32, #tpu.memory_space<hbm>>
    %dma_start3A_628 = arith.constant 0 : i32
    %dma_start3A_629 = tpu.memref_slice %arg3[%select_n3A_621, %add3A_603, %dma_start3A_628] : memref<4x8192x1024xf32, #tpu.memory_space<hbm>> -> memref<1x56x1024xf32, #tpu.memory_space<hbm>>
    %dma_start3A_630 = tpu.memref_squeeze %dma_start3A_629 : memref<1x56x1024xf32, #tpu.memory_space<hbm>> -> memref<56x1024xf32, #tpu.memory_space<hbm>>
    %dma_start3A_631 = arith.constant 0 : i32
    %dma_start3A_632 = arith.constant 0 : i32
    %dma_start3A_633 = tpu.memref_slice %arg5[%dma_start3A_631, %dma_start3A_632] : memref<56x1024xf32, #tpu.memory_space<vmem>> -> memref<56x1024xf32, #tpu.memory_space<vmem>>
    tpu.enqueue_dma source(%dma_start3A_633 : memref<56x1024xf32, #tpu.memory_space<vmem>>) target(%dma_start3A_630 : memref<56x1024xf32, #tpu.memory_space<hbm>>) target_semaphore(%arg9 : memref<!tpu.dma_semaphore, #tpu.memory_space<semaphore_mem>>)
    %add3A_634 = arith.constant 1 : i32
    %add3A_635 = arith.addi %add3A_634, %add3A : i32
    %jit3A_636 = arith.constant 4 : i32
    %eq3A_637 = arith.constant 0 : i32
    %eq3A_638 = arith.cmpi eq, %jit3A_636, %eq3A_637 : i32
    %jit3A_639 = arith.constant 1 : i32
    %select_n3A_640 = arith.select %eq3A_638, %jit3A_639, %jit3A_636 : i32
    %rem3A_641 = arith.remsi %add3A_635, %select_n3A_640 : i32
    %ne3A_642 = arith.constant 0 : i32
    %ne3A_643 = arith.cmpi ne, %rem3A_641, %ne3A_642 : i32
    %lt3A_644 = arith.constant 0 : i32
    %lt3A_645 = arith.cmpi slt, %rem3A_641, %lt3A_644 : i32
    %lt3A_646 = arith.constant 0 : i32
    %lt3A_647 = arith.cmpi slt, %select_n3A_640, %lt3A_646 : i32
    %ne3A_648 = arith.xori %lt3A_645, %lt3A_647 : i1
    %and3A_649 = arith.andi %ne3A_648, %ne3A_643 : i1
    %add3A_650 = arith.addi %rem3A_641, %select_n3A_640 : i32
    %select_n3A_651 = arith.select %and3A_649, %add3A_650, %rem3A_641 : i32
    %dma_start3A_652 = arith.constant 0 : i32
    %dma_start3A_653 = arith.constant 0 : i32
    %dma_start3A_654 = tpu.memref_slice %arg5[%dma_start3A_652, %dma_start3A_653] : memref<56x1024xf32, #tpu.memory_space<vmem>> -> memref<56x1024xf32, #tpu.memory_space<vmem>>
    %dma_start3A_655 = arith.constant 0 : i32
    %dma_start3A_656 = tpu.memref_slice %arg3[%select_n3A_651, %add3A_603, %dma_start3A_655] : memref<4x8192x1024xf32, #tpu.memory_space<hbm>> -> memref<1x56x1024xf32, #tpu.memory_space<hbm>>
    %dma_start3A_657 = tpu.memref_squeeze %dma_start3A_656 : memref<1x56x1024xf32, #tpu.memory_space<hbm>> -> memref<56x1024xf32, #tpu.memory_space<hbm>>
    %dma_start3A_658 = arith.constant 0 : i32
    %dma_start3A_659 = tpu.memref_slice %arg3[%select_n3A_651, %add3A_603, %dma_start3A_658] : memref<4x8192x1024xf32, #tpu.memory_space<hbm>> -> memref<1x56x1024xf32, #tpu.memory_space<hbm>>
    %dma_start3A_660 = tpu.memref_squeeze %dma_start3A_659 : memref<1x56x1024xf32, #tpu.memory_space<hbm>> -> memref<56x1024xf32, #tpu.memory_space<hbm>>
    %dma_start3A_661 = arith.constant 0 : i32
    %dma_start3A_662 = arith.constant 0 : i32
    %dma_start3A_663 = tpu.memref_slice %arg5[%dma_start3A_661, %dma_start3A_662] : memref<56x1024xf32, #tpu.memory_space<vmem>> -> memref<56x1024xf32, #tpu.memory_space<vmem>>
    tpu.enqueue_dma source(%dma_start3A_663 : memref<56x1024xf32, #tpu.memory_space<vmem>>) target(%dma_start3A_660 : memref<56x1024xf32, #tpu.memory_space<hbm>>) target_semaphore(%arg9 : memref<!tpu.dma_semaphore, #tpu.memory_space<semaphore_mem>>)
    %add3A_664 = arith.constant 2 : i32
    %add3A_665 = arith.addi %add3A_664, %add3A : i32
    %jit3A_666 = arith.constant 4 : i32
    %eq3A_667 = arith.constant 0 : i32
    %eq3A_668 = arith.cmpi eq, %jit3A_666, %eq3A_667 : i32
    %jit3A_669 = arith.constant 1 : i32
    %select_n3A_670 = arith.select %eq3A_668, %jit3A_669, %jit3A_666 : i32
    %rem3A_671 = arith.remsi %add3A_665, %select_n3A_670 : i32
    %ne3A_672 = arith.constant 0 : i32
    %ne3A_673 = arith.cmpi ne, %rem3A_671, %ne3A_672 : i32
    %lt3A_674 = arith.constant 0 : i32
    %lt3A_675 = arith.cmpi slt, %rem3A_671, %lt3A_674 : i32
    %lt3A_676 = arith.constant 0 : i32
    %lt3A_677 = arith.cmpi slt, %select_n3A_670, %lt3A_676 : i32
    %ne3A_678 = arith.xori %lt3A_675, %lt3A_677 : i1
    %and3A_679 = arith.andi %ne3A_678, %ne3A_673 : i1
    %add3A_680 = arith.addi %rem3A_671, %select_n3A_670 : i32
    %select_n3A_681 = arith.select %and3A_679, %add3A_680, %rem3A_671 : i32
    %dma_start3A_682 = arith.constant 0 : i32
    %dma_start3A_683 = arith.constant 0 : i32
    %dma_start3A_684 = tpu.memref_slice %arg5[%dma_start3A_682, %dma_start3A_683] : memref<56x1024xf32, #tpu.memory_space<vmem>> -> memref<56x1024xf32, #tpu.memory_space<vmem>>
    %dma_start3A_685 = arith.constant 0 : i32
    %dma_start3A_686 = tpu.memref_slice %arg3[%select_n3A_681, %add3A_603, %dma_start3A_685] : memref<4x8192x1024xf32, #tpu.memory_space<hbm>> -> memref<1x56x1024xf32, #tpu.memory_space<hbm>>
    %dma_start3A_687 = tpu.memref_squeeze %dma_start3A_686 : memref<1x56x1024xf32, #tpu.memory_space<hbm>> -> memref<56x1024xf32, #tpu.memory_space<hbm>>
    %dma_start3A_688 = arith.constant 0 : i32
    %dma_start3A_689 = tpu.memref_slice %arg3[%select_n3A_681, %add3A_603, %dma_start3A_688] : memref<4x8192x1024xf32, #tpu.memory_space<hbm>> -> memref<1x56x1024xf32, #tpu.memory_space<hbm>>
    %dma_start3A_690 = tpu.memref_squeeze %dma_start3A_689 : memref<1x56x1024xf32, #tpu.memory_space<hbm>> -> memref<56x1024xf32, #tpu.memory_space<hbm>>
    %dma_start3A_691 = arith.constant 0 : i32
    %dma_start3A_692 = arith.constant 0 : i32
    %dma_start3A_693 = tpu.memref_slice %arg5[%dma_start3A_691, %dma_start3A_692] : memref<56x1024xf32, #tpu.memory_space<vmem>> -> memref<56x1024xf32, #tpu.memory_space<vmem>>
    tpu.enqueue_dma source(%dma_start3A_693 : memref<56x1024xf32, #tpu.memory_space<vmem>>) target(%dma_start3A_690 : memref<56x1024xf32, #tpu.memory_space<hbm>>) target_semaphore(%arg9 : memref<!tpu.dma_semaphore, #tpu.memory_space<semaphore_mem>>)
    %add3A_694 = arith.constant 3 : i32
    %add3A_695 = arith.addi %add3A_694, %add3A : i32
    %jit3A_696 = arith.constant 4 : i32
    %eq3A_697 = arith.constant 0 : i32
    %eq3A_698 = arith.cmpi eq, %jit3A_696, %eq3A_697 : i32
    %jit3A_699 = arith.constant 1 : i32
    %select_n3A_700 = arith.select %eq3A_698, %jit3A_699, %jit3A_696 : i32
    %rem3A_701 = arith.remsi %add3A_695, %select_n3A_700 : i32
    %ne3A_702 = arith.constant 0 : i32
    %ne3A_703 = arith.cmpi ne, %rem3A_701, %ne3A_702 : i32
    %lt3A_704 = arith.constant 0 : i32
    %lt3A_705 = arith.cmpi slt, %rem3A_701, %lt3A_704 : i32
    %lt3A_706 = arith.constant 0 : i32
    %lt3A_707 = arith.cmpi slt, %select_n3A_700, %lt3A_706 : i32
    %ne3A_708 = arith.xori %lt3A_705, %lt3A_707 : i1
    %and3A_709 = arith.andi %ne3A_708, %ne3A_703 : i1
    %add3A_710 = arith.addi %rem3A_701, %select_n3A_700 : i32
    %select_n3A_711 = arith.select %and3A_709, %add3A_710, %rem3A_701 : i32
    %dma_start3A_712 = arith.constant 0 : i32
    %dma_start3A_713 = arith.constant 0 : i32
    %dma_start3A_714 = tpu.memref_slice %arg5[%dma_start3A_712, %dma_start3A_713] : memref<56x1024xf32, #tpu.memory_space<vmem>> -> memref<56x1024xf32, #tpu.memory_space<vmem>>
    %dma_start3A_715 = arith.constant 0 : i32
    %dma_start3A_716 = tpu.memref_slice %arg3[%select_n3A_711, %add3A_603, %dma_start3A_715] : memref<4x8192x1024xf32, #tpu.memory_space<hbm>> -> memref<1x56x1024xf32, #tpu.memory_space<hbm>>
    %dma_start3A_717 = tpu.memref_squeeze %dma_start3A_716 : memref<1x56x1024xf32, #tpu.memory_space<hbm>> -> memref<56x1024xf32, #tpu.memory_space<hbm>>
    %dma_start3A_718 = arith.constant 0 : i32
    %dma_start3A_719 = tpu.memref_slice %arg3[%select_n3A_711, %add3A_603, %dma_start3A_718] : memref<4x8192x1024xf32, #tpu.memory_space<hbm>> -> memref<1x56x1024xf32, #tpu.memory_space<hbm>>
    %dma_start3A_720 = tpu.memref_squeeze %dma_start3A_719 : memref<1x56x1024xf32, #tpu.memory_space<hbm>> -> memref<56x1024xf32, #tpu.memory_space<hbm>>
    %dma_start3A_721 = arith.constant 0 : i32
    %dma_start3A_722 = arith.constant 0 : i32
    %dma_start3A_723 = tpu.memref_slice %arg5[%dma_start3A_721, %dma_start3A_722] : memref<56x1024xf32, #tpu.memory_space<vmem>> -> memref<56x1024xf32, #tpu.memory_space<vmem>>
    tpu.enqueue_dma source(%dma_start3A_723 : memref<56x1024xf32, #tpu.memory_space<vmem>>) target(%dma_start3A_720 : memref<56x1024xf32, #tpu.memory_space<hbm>>) target_semaphore(%arg9 : memref<!tpu.dma_semaphore, #tpu.memory_space<semaphore_mem>>)
    %dma_wait3A_724 = arith.constant 0 : i32
    %dma_wait3A_725 = arith.constant 0 : i32
    %dma_wait3A_726 = tpu.memref_slice %arg4[%dma_wait3A_724, %dma_wait3A_725] : memref<56x1024xf32, #tpu.memory_space<vmem>> -> memref<32x1024xf32, #tpu.memory_space<vmem>>
    %dma_wait3A_727 = arith.constant 0 : i32
    %dma_wait3A_728 = tpu.memref_slice %arg2[%add3A_581, %dma_wait3A_727] : memref<8192x1024xf32, #tpu.memory_space<hbm>> -> memref<32x1024xf32, #tpu.memory_space<hbm>>
    %dma_wait3A_729 = arith.constant 0 : i32
    %dma_wait3A_730 = arith.constant 0 : i32
    %dma_wait3A_731 = tpu.memref_slice %arg4[%dma_wait3A_729, %dma_wait3A_730] : memref<56x1024xf32, #tpu.memory_space<vmem>> -> memref<32x1024xf32, #tpu.memory_space<vmem>>
    %dma_wait3A_732 = arith.constant 0 : i32
    %dma_wait3A_733 = tpu.memref_slice %arg2[%add3A_581, %dma_wait3A_732] : memref<8192x1024xf32, #tpu.memory_space<hbm>> -> memref<32x1024xf32, #tpu.memory_space<hbm>>
    tpu.wait_dma2 semaphore(%arg6 : memref<!tpu.dma_semaphore, #tpu.memory_space<semaphore_mem>>) src(%dma_wait3A_733 : memref<32x1024xf32, #tpu.memory_space<hbm>>) dst(%dma_wait3A_731 : memref<32x1024xf32, #tpu.memory_space<vmem>>)
    %add3A_734 = arith.constant 224 : i32
    %add3A_735 = arith.addi %mul3A_2, %add3A_734 : i32
    %add3A_736 = arith.constant 0 : i32
    %add3A_737 = arith.addi %add3A_736, %add3A : i32
    %jit3A_738 = arith.constant 4 : i32
    %eq3A_739 = arith.constant 0 : i32
    %eq3A_740 = arith.cmpi eq, %jit3A_738, %eq3A_739 : i32
    %jit3A_741 = arith.constant 1 : i32
    %select_n3A_742 = arith.select %eq3A_740, %jit3A_741, %jit3A_738 : i32
    %rem3A_743 = arith.remsi %add3A_737, %select_n3A_742 : i32
    %ne3A_744 = arith.constant 0 : i32
    %ne3A_745 = arith.cmpi ne, %rem3A_743, %ne3A_744 : i32
    %lt3A_746 = arith.constant 0 : i32
    %lt3A_747 = arith.cmpi slt, %rem3A_743, %lt3A_746 : i32
    %lt3A_748 = arith.constant 0 : i32
    %lt3A_749 = arith.cmpi slt, %select_n3A_742, %lt3A_748 : i32
    %ne3A_750 = arith.xori %lt3A_747, %lt3A_749 : i1
    %and3A_751 = arith.andi %ne3A_750, %ne3A_745 : i1
    %add3A_752 = arith.addi %rem3A_743, %select_n3A_742 : i32
    %select_n3A_753 = arith.select %and3A_751, %add3A_752, %rem3A_743 : i32
    %dma_start3A_754 = arith.constant 0 : i32
    %dma_start3A_755 = arith.constant 0 : i32
    %dma_start3A_756 = tpu.memref_slice %arg4[%dma_start3A_754, %dma_start3A_755] : memref<56x1024xf32, #tpu.memory_space<vmem>> -> memref<32x1024xf32, #tpu.memory_space<vmem>>
    %dma_start3A_757 = arith.constant 0 : i32
    %dma_start3A_758 = tpu.memref_slice %arg3[%select_n3A_753, %add3A_735, %dma_start3A_757] : memref<4x8192x1024xf32, #tpu.memory_space<hbm>> -> memref<1x32x1024xf32, #tpu.memory_space<hbm>>
    %dma_start3A_759 = tpu.memref_squeeze %dma_start3A_758 : memref<1x32x1024xf32, #tpu.memory_space<hbm>> -> memref<32x1024xf32, #tpu.memory_space<hbm>>
    %dma_start3A_760 = arith.constant 0 : i32
    %dma_start3A_761 = tpu.memref_slice %arg3[%select_n3A_753, %add3A_735, %dma_start3A_760] : memref<4x8192x1024xf32, #tpu.memory_space<hbm>> -> memref<1x32x1024xf32, #tpu.memory_space<hbm>>
    %dma_start3A_762 = tpu.memref_squeeze %dma_start3A_761 : memref<1x32x1024xf32, #tpu.memory_space<hbm>> -> memref<32x1024xf32, #tpu.memory_space<hbm>>
    %dma_start3A_763 = arith.constant 0 : i32
    %dma_start3A_764 = arith.constant 0 : i32
    %dma_start3A_765 = tpu.memref_slice %arg4[%dma_start3A_763, %dma_start3A_764] : memref<56x1024xf32, #tpu.memory_space<vmem>> -> memref<32x1024xf32, #tpu.memory_space<vmem>>
    tpu.enqueue_dma source(%dma_start3A_765 : memref<32x1024xf32, #tpu.memory_space<vmem>>) target(%dma_start3A_762 : memref<32x1024xf32, #tpu.memory_space<hbm>>) target_semaphore(%arg8 : memref<!tpu.dma_semaphore, #tpu.memory_space<semaphore_mem>>)
    %add3A_766 = arith.constant 1 : i32
    %add3A_767 = arith.addi %add3A_766, %add3A : i32
    %jit3A_768 = arith.constant 4 : i32
    %eq3A_769 = arith.constant 0 : i32
    %eq3A_770 = arith.cmpi eq, %jit3A_768, %eq3A_769 : i32
    %jit3A_771 = arith.constant 1 : i32
    %select_n3A_772 = arith.select %eq3A_770, %jit3A_771, %jit3A_768 : i32
    %rem3A_773 = arith.remsi %add3A_767, %select_n3A_772 : i32
    %ne3A_774 = arith.constant 0 : i32
    %ne3A_775 = arith.cmpi ne, %rem3A_773, %ne3A_774 : i32
    %lt3A_776 = arith.constant 0 : i32
    %lt3A_777 = arith.cmpi slt, %rem3A_773, %lt3A_776 : i32
    %lt3A_778 = arith.constant 0 : i32
    %lt3A_779 = arith.cmpi slt, %select_n3A_772, %lt3A_778 : i32
    %ne3A_780 = arith.xori %lt3A_777, %lt3A_779 : i1
    %and3A_781 = arith.andi %ne3A_780, %ne3A_775 : i1
    %add3A_782 = arith.addi %rem3A_773, %select_n3A_772 : i32
    %select_n3A_783 = arith.select %and3A_781, %add3A_782, %rem3A_773 : i32
    %dma_start3A_784 = arith.constant 0 : i32
    %dma_start3A_785 = arith.constant 0 : i32
    %dma_start3A_786 = tpu.memref_slice %arg4[%dma_start3A_784, %dma_start3A_785] : memref<56x1024xf32, #tpu.memory_space<vmem>> -> memref<32x1024xf32, #tpu.memory_space<vmem>>
    %dma_start3A_787 = arith.constant 0 : i32
    %dma_start3A_788 = tpu.memref_slice %arg3[%select_n3A_783, %add3A_735, %dma_start3A_787] : memref<4x8192x1024xf32, #tpu.memory_space<hbm>> -> memref<1x32x1024xf32, #tpu.memory_space<hbm>>
    %dma_start3A_789 = tpu.memref_squeeze %dma_start3A_788 : memref<1x32x1024xf32, #tpu.memory_space<hbm>> -> memref<32x1024xf32, #tpu.memory_space<hbm>>
    %dma_start3A_790 = arith.constant 0 : i32
    %dma_start3A_791 = tpu.memref_slice %arg3[%select_n3A_783, %add3A_735, %dma_start3A_790] : memref<4x8192x1024xf32, #tpu.memory_space<hbm>> -> memref<1x32x1024xf32, #tpu.memory_space<hbm>>
    %dma_start3A_792 = tpu.memref_squeeze %dma_start3A_791 : memref<1x32x1024xf32, #tpu.memory_space<hbm>> -> memref<32x1024xf32, #tpu.memory_space<hbm>>
    %dma_start3A_793 = arith.constant 0 : i32
    %dma_start3A_794 = arith.constant 0 : i32
    %dma_start3A_795 = tpu.memref_slice %arg4[%dma_start3A_793, %dma_start3A_794] : memref<56x1024xf32, #tpu.memory_space<vmem>> -> memref<32x1024xf32, #tpu.memory_space<vmem>>
    tpu.enqueue_dma source(%dma_start3A_795 : memref<32x1024xf32, #tpu.memory_space<vmem>>) target(%dma_start3A_792 : memref<32x1024xf32, #tpu.memory_space<hbm>>) target_semaphore(%arg8 : memref<!tpu.dma_semaphore, #tpu.memory_space<semaphore_mem>>)
    %add3A_796 = arith.constant 2 : i32
    %add3A_797 = arith.addi %add3A_796, %add3A : i32
    %jit3A_798 = arith.constant 4 : i32
    %eq3A_799 = arith.constant 0 : i32
    %eq3A_800 = arith.cmpi eq, %jit3A_798, %eq3A_799 : i32
    %jit3A_801 = arith.constant 1 : i32
    %select_n3A_802 = arith.select %eq3A_800, %jit3A_801, %jit3A_798 : i32
    %rem3A_803 = arith.remsi %add3A_797, %select_n3A_802 : i32
    %ne3A_804 = arith.constant 0 : i32
    %ne3A_805 = arith.cmpi ne, %rem3A_803, %ne3A_804 : i32
    %lt3A_806 = arith.constant 0 : i32
    %lt3A_807 = arith.cmpi slt, %rem3A_803, %lt3A_806 : i32
    %lt3A_808 = arith.constant 0 : i32
    %lt3A_809 = arith.cmpi slt, %select_n3A_802, %lt3A_808 : i32
    %ne3A_810 = arith.xori %lt3A_807, %lt3A_809 : i1
    %and3A_811 = arith.andi %ne3A_810, %ne3A_805 : i1
    %add3A_812 = arith.addi %rem3A_803, %select_n3A_802 : i32
    %select_n3A_813 = arith.select %and3A_811, %add3A_812, %rem3A_803 : i32
    %dma_start3A_814 = arith.constant 0 : i32
    %dma_start3A_815 = arith.constant 0 : i32
    %dma_start3A_816 = tpu.memref_slice %arg4[%dma_start3A_814, %dma_start3A_815] : memref<56x1024xf32, #tpu.memory_space<vmem>> -> memref<32x1024xf32, #tpu.memory_space<vmem>>
    %dma_start3A_817 = arith.constant 0 : i32
    %dma_start3A_818 = tpu.memref_slice %arg3[%select_n3A_813, %add3A_735, %dma_start3A_817] : memref<4x8192x1024xf32, #tpu.memory_space<hbm>> -> memref<1x32x1024xf32, #tpu.memory_space<hbm>>
    %dma_start3A_819 = tpu.memref_squeeze %dma_start3A_818 : memref<1x32x1024xf32, #tpu.memory_space<hbm>> -> memref<32x1024xf32, #tpu.memory_space<hbm>>
    %dma_start3A_820 = arith.constant 0 : i32
    %dma_start3A_821 = tpu.memref_slice %arg3[%select_n3A_813, %add3A_735, %dma_start3A_820] : memref<4x8192x1024xf32, #tpu.memory_space<hbm>> -> memref<1x32x1024xf32, #tpu.memory_space<hbm>>
    %dma_start3A_822 = tpu.memref_squeeze %dma_start3A_821 : memref<1x32x1024xf32, #tpu.memory_space<hbm>> -> memref<32x1024xf32, #tpu.memory_space<hbm>>
    %dma_start3A_823 = arith.constant 0 : i32
    %dma_start3A_824 = arith.constant 0 : i32
    %dma_start3A_825 = tpu.memref_slice %arg4[%dma_start3A_823, %dma_start3A_824] : memref<56x1024xf32, #tpu.memory_space<vmem>> -> memref<32x1024xf32, #tpu.memory_space<vmem>>
    tpu.enqueue_dma source(%dma_start3A_825 : memref<32x1024xf32, #tpu.memory_space<vmem>>) target(%dma_start3A_822 : memref<32x1024xf32, #tpu.memory_space<hbm>>) target_semaphore(%arg8 : memref<!tpu.dma_semaphore, #tpu.memory_space<semaphore_mem>>)
    %add3A_826 = arith.constant 3 : i32
    %add3A_827 = arith.addi %add3A_826, %add3A : i32
    %jit3A_828 = arith.constant 4 : i32
    %eq3A_829 = arith.constant 0 : i32
    %eq3A_830 = arith.cmpi eq, %jit3A_828, %eq3A_829 : i32
    %jit3A_831 = arith.constant 1 : i32
    %select_n3A_832 = arith.select %eq3A_830, %jit3A_831, %jit3A_828 : i32
    %rem3A_833 = arith.remsi %add3A_827, %select_n3A_832 : i32
    %ne3A_834 = arith.constant 0 : i32
    %ne3A_835 = arith.cmpi ne, %rem3A_833, %ne3A_834 : i32
    %lt3A_836 = arith.constant 0 : i32
    %lt3A_837 = arith.cmpi slt, %rem3A_833, %lt3A_836 : i32
    %lt3A_838 = arith.constant 0 : i32
    %lt3A_839 = arith.cmpi slt, %select_n3A_832, %lt3A_838 : i32
    %ne3A_840 = arith.xori %lt3A_837, %lt3A_839 : i1
    %and3A_841 = arith.andi %ne3A_840, %ne3A_835 : i1
    %add3A_842 = arith.addi %rem3A_833, %select_n3A_832 : i32
    %select_n3A_843 = arith.select %and3A_841, %add3A_842, %rem3A_833 : i32
    %dma_start3A_844 = arith.constant 0 : i32
    %dma_start3A_845 = arith.constant 0 : i32
    %dma_start3A_846 = tpu.memref_slice %arg4[%dma_start3A_844, %dma_start3A_845] : memref<56x1024xf32, #tpu.memory_space<vmem>> -> memref<32x1024xf32, #tpu.memory_space<vmem>>
    %dma_start3A_847 = arith.constant 0 : i32
    %dma_start3A_848 = tpu.memref_slice %arg3[%select_n3A_843, %add3A_735, %dma_start3A_847] : memref<4x8192x1024xf32, #tpu.memory_space<hbm>> -> memref<1x32x1024xf32, #tpu.memory_space<hbm>>
    %dma_start3A_849 = tpu.memref_squeeze %dma_start3A_848 : memref<1x32x1024xf32, #tpu.memory_space<hbm>> -> memref<32x1024xf32, #tpu.memory_space<hbm>>
    %dma_start3A_850 = arith.constant 0 : i32
    %dma_start3A_851 = tpu.memref_slice %arg3[%select_n3A_843, %add3A_735, %dma_start3A_850] : memref<4x8192x1024xf32, #tpu.memory_space<hbm>> -> memref<1x32x1024xf32, #tpu.memory_space<hbm>>
    %dma_start3A_852 = tpu.memref_squeeze %dma_start3A_851 : memref<1x32x1024xf32, #tpu.memory_space<hbm>> -> memref<32x1024xf32, #tpu.memory_space<hbm>>
    %dma_start3A_853 = arith.constant 0 : i32
    %dma_start3A_854 = arith.constant 0 : i32
    %dma_start3A_855 = tpu.memref_slice %arg4[%dma_start3A_853, %dma_start3A_854] : memref<56x1024xf32, #tpu.memory_space<vmem>> -> memref<32x1024xf32, #tpu.memory_space<vmem>>
    tpu.enqueue_dma source(%dma_start3A_855 : memref<32x1024xf32, #tpu.memory_space<vmem>>) target(%dma_start3A_852 : memref<32x1024xf32, #tpu.memory_space<hbm>>) target_semaphore(%arg8 : memref<!tpu.dma_semaphore, #tpu.memory_space<semaphore_mem>>)
    %dma_wait3A_856 = arith.constant 0 : i32
    %dma_wait3A_857 = arith.constant 0 : i32
    %dma_wait3A_858 = tpu.memref_slice %arg5[%dma_wait3A_856, %dma_wait3A_857] : memref<56x1024xf32, #tpu.memory_space<vmem>> -> memref<56x1024xf32, #tpu.memory_space<vmem>>
    %dma_wait3A_859 = arith.constant 0 : i32
    %dma_wait3A_860 = tpu.memref_slice %arg3[%select_n3A_621, %add3A_603, %dma_wait3A_859] : memref<4x8192x1024xf32, #tpu.memory_space<hbm>> -> memref<1x56x1024xf32, #tpu.memory_space<hbm>>
    %dma_wait3A_861 = tpu.memref_squeeze %dma_wait3A_860 : memref<1x56x1024xf32, #tpu.memory_space<hbm>> -> memref<56x1024xf32, #tpu.memory_space<hbm>>
    %dma_wait3A_862 = arith.constant 0 : i32
    %dma_wait3A_863 = tpu.memref_slice %arg3[%select_n3A_621, %add3A_603, %dma_wait3A_862] : memref<4x8192x1024xf32, #tpu.memory_space<hbm>> -> memref<1x56x1024xf32, #tpu.memory_space<hbm>>
    %dma_wait3A_864 = tpu.memref_squeeze %dma_wait3A_863 : memref<1x56x1024xf32, #tpu.memory_space<hbm>> -> memref<56x1024xf32, #tpu.memory_space<hbm>>
    %dma_wait3A_865 = arith.constant 0 : i32
    %dma_wait3A_866 = arith.constant 0 : i32
    %dma_wait3A_867 = tpu.memref_slice %arg5[%dma_wait3A_865, %dma_wait3A_866] : memref<56x1024xf32, #tpu.memory_space<vmem>> -> memref<56x1024xf32, #tpu.memory_space<vmem>>
    tpu.wait_dma2 semaphore(%arg9 : memref<!tpu.dma_semaphore, #tpu.memory_space<semaphore_mem>>) src(%dma_wait3A_867 : memref<56x1024xf32, #tpu.memory_space<vmem>>) dst(%dma_wait3A_864 : memref<56x1024xf32, #tpu.memory_space<hbm>>)
    %dma_wait3A_868 = arith.constant 0 : i32
    %dma_wait3A_869 = arith.constant 0 : i32
    %dma_wait3A_870 = tpu.memref_slice %arg5[%dma_wait3A_868, %dma_wait3A_869] : memref<56x1024xf32, #tpu.memory_space<vmem>> -> memref<56x1024xf32, #tpu.memory_space<vmem>>
    %dma_wait3A_871 = arith.constant 0 : i32
    %dma_wait3A_872 = tpu.memref_slice %arg3[%select_n3A_651, %add3A_603, %dma_wait3A_871] : memref<4x8192x1024xf32, #tpu.memory_space<hbm>> -> memref<1x56x1024xf32, #tpu.memory_space<hbm>>
    %dma_wait3A_873 = tpu.memref_squeeze %dma_wait3A_872 : memref<1x56x1024xf32, #tpu.memory_space<hbm>> -> memref<56x1024xf32, #tpu.memory_space<hbm>>
    %dma_wait3A_874 = arith.constant 0 : i32
    %dma_wait3A_875 = tpu.memref_slice %arg3[%select_n3A_651, %add3A_603, %dma_wait3A_874] : memref<4x8192x1024xf32, #tpu.memory_space<hbm>> -> memref<1x56x1024xf32, #tpu.memory_space<hbm>>
    %dma_wait3A_876 = tpu.memref_squeeze %dma_wait3A_875 : memref<1x56x1024xf32, #tpu.memory_space<hbm>> -> memref<56x1024xf32, #tpu.memory_space<hbm>>
    %dma_wait3A_877 = arith.constant 0 : i32
    %dma_wait3A_878 = arith.constant 0 : i32
    %dma_wait3A_879 = tpu.memref_slice %arg5[%dma_wait3A_877, %dma_wait3A_878] : memref<56x1024xf32, #tpu.memory_space<vmem>> -> memref<56x1024xf32, #tpu.memory_space<vmem>>
    tpu.wait_dma2 semaphore(%arg9 : memref<!tpu.dma_semaphore, #tpu.memory_space<semaphore_mem>>) src(%dma_wait3A_879 : memref<56x1024xf32, #tpu.memory_space<vmem>>) dst(%dma_wait3A_876 : memref<56x1024xf32, #tpu.memory_space<hbm>>)
    %dma_wait3A_880 = arith.constant 0 : i32
    %dma_wait3A_881 = arith.constant 0 : i32
    %dma_wait3A_882 = tpu.memref_slice %arg5[%dma_wait3A_880, %dma_wait3A_881] : memref<56x1024xf32, #tpu.memory_space<vmem>> -> memref<56x1024xf32, #tpu.memory_space<vmem>>
    %dma_wait3A_883 = arith.constant 0 : i32
    %dma_wait3A_884 = tpu.memref_slice %arg3[%select_n3A_681, %add3A_603, %dma_wait3A_883] : memref<4x8192x1024xf32, #tpu.memory_space<hbm>> -> memref<1x56x1024xf32, #tpu.memory_space<hbm>>
    %dma_wait3A_885 = tpu.memref_squeeze %dma_wait3A_884 : memref<1x56x1024xf32, #tpu.memory_space<hbm>> -> memref<56x1024xf32, #tpu.memory_space<hbm>>
    %dma_wait3A_886 = arith.constant 0 : i32
    %dma_wait3A_887 = tpu.memref_slice %arg3[%select_n3A_681, %add3A_603, %dma_wait3A_886] : memref<4x8192x1024xf32, #tpu.memory_space<hbm>> -> memref<1x56x1024xf32, #tpu.memory_space<hbm>>
    %dma_wait3A_888 = tpu.memref_squeeze %dma_wait3A_887 : memref<1x56x1024xf32, #tpu.memory_space<hbm>> -> memref<56x1024xf32, #tpu.memory_space<hbm>>
    %dma_wait3A_889 = arith.constant 0 : i32
    %dma_wait3A_890 = arith.constant 0 : i32
    %dma_wait3A_891 = tpu.memref_slice %arg5[%dma_wait3A_889, %dma_wait3A_890] : memref<56x1024xf32, #tpu.memory_space<vmem>> -> memref<56x1024xf32, #tpu.memory_space<vmem>>
    tpu.wait_dma2 semaphore(%arg9 : memref<!tpu.dma_semaphore, #tpu.memory_space<semaphore_mem>>) src(%dma_wait3A_891 : memref<56x1024xf32, #tpu.memory_space<vmem>>) dst(%dma_wait3A_888 : memref<56x1024xf32, #tpu.memory_space<hbm>>)
    %dma_wait3A_892 = arith.constant 0 : i32
    %dma_wait3A_893 = arith.constant 0 : i32
    %dma_wait3A_894 = tpu.memref_slice %arg5[%dma_wait3A_892, %dma_wait3A_893] : memref<56x1024xf32, #tpu.memory_space<vmem>> -> memref<56x1024xf32, #tpu.memory_space<vmem>>
    %dma_wait3A_895 = arith.constant 0 : i32
    %dma_wait3A_896 = tpu.memref_slice %arg3[%select_n3A_711, %add3A_603, %dma_wait3A_895] : memref<4x8192x1024xf32, #tpu.memory_space<hbm>> -> memref<1x56x1024xf32, #tpu.memory_space<hbm>>
    %dma_wait3A_897 = tpu.memref_squeeze %dma_wait3A_896 : memref<1x56x1024xf32, #tpu.memory_space<hbm>> -> memref<56x1024xf32, #tpu.memory_space<hbm>>
    %dma_wait3A_898 = arith.constant 0 : i32
    %dma_wait3A_899 = tpu.memref_slice %arg3[%select_n3A_711, %add3A_603, %dma_wait3A_898] : memref<4x8192x1024xf32, #tpu.memory_space<hbm>> -> memref<1x56x1024xf32, #tpu.memory_space<hbm>>
    %dma_wait3A_900 = tpu.memref_squeeze %dma_wait3A_899 : memref<1x56x1024xf32, #tpu.memory_space<hbm>> -> memref<56x1024xf32, #tpu.memory_space<hbm>>
    %dma_wait3A_901 = arith.constant 0 : i32
    %dma_wait3A_902 = arith.constant 0 : i32
    %dma_wait3A_903 = tpu.memref_slice %arg5[%dma_wait3A_901, %dma_wait3A_902] : memref<56x1024xf32, #tpu.memory_space<vmem>> -> memref<56x1024xf32, #tpu.memory_space<vmem>>
    tpu.wait_dma2 semaphore(%arg9 : memref<!tpu.dma_semaphore, #tpu.memory_space<semaphore_mem>>) src(%dma_wait3A_903 : memref<56x1024xf32, #tpu.memory_space<vmem>>) dst(%dma_wait3A_900 : memref<56x1024xf32, #tpu.memory_space<hbm>>)
    %dma_wait3A_904 = arith.constant 0 : i32
    %dma_wait3A_905 = arith.constant 0 : i32
    %dma_wait3A_906 = tpu.memref_slice %arg4[%dma_wait3A_904, %dma_wait3A_905] : memref<56x1024xf32, #tpu.memory_space<vmem>> -> memref<32x1024xf32, #tpu.memory_space<vmem>>
    %dma_wait3A_907 = arith.constant 0 : i32
    %dma_wait3A_908 = tpu.memref_slice %arg3[%select_n3A_753, %add3A_735, %dma_wait3A_907] : memref<4x8192x1024xf32, #tpu.memory_space<hbm>> -> memref<1x32x1024xf32, #tpu.memory_space<hbm>>
    %dma_wait3A_909 = tpu.memref_squeeze %dma_wait3A_908 : memref<1x32x1024xf32, #tpu.memory_space<hbm>> -> memref<32x1024xf32, #tpu.memory_space<hbm>>
    %dma_wait3A_910 = arith.constant 0 : i32
    %dma_wait3A_911 = tpu.memref_slice %arg3[%select_n3A_753, %add3A_735, %dma_wait3A_910] : memref<4x8192x1024xf32, #tpu.memory_space<hbm>> -> memref<1x32x1024xf32, #tpu.memory_space<hbm>>
    %dma_wait3A_912 = tpu.memref_squeeze %dma_wait3A_911 : memref<1x32x1024xf32, #tpu.memory_space<hbm>> -> memref<32x1024xf32, #tpu.memory_space<hbm>>
    %dma_wait3A_913 = arith.constant 0 : i32
    %dma_wait3A_914 = arith.constant 0 : i32
    %dma_wait3A_915 = tpu.memref_slice %arg4[%dma_wait3A_913, %dma_wait3A_914] : memref<56x1024xf32, #tpu.memory_space<vmem>> -> memref<32x1024xf32, #tpu.memory_space<vmem>>
    tpu.wait_dma2 semaphore(%arg8 : memref<!tpu.dma_semaphore, #tpu.memory_space<semaphore_mem>>) src(%dma_wait3A_915 : memref<32x1024xf32, #tpu.memory_space<vmem>>) dst(%dma_wait3A_912 : memref<32x1024xf32, #tpu.memory_space<hbm>>)
    %dma_wait3A_916 = arith.constant 0 : i32
    %dma_wait3A_917 = arith.constant 0 : i32
    %dma_wait3A_918 = tpu.memref_slice %arg4[%dma_wait3A_916, %dma_wait3A_917] : memref<56x1024xf32, #tpu.memory_space<vmem>> -> memref<32x1024xf32, #tpu.memory_space<vmem>>
    %dma_wait3A_919 = arith.constant 0 : i32
    %dma_wait3A_920 = tpu.memref_slice %arg3[%select_n3A_783, %add3A_735, %dma_wait3A_919] : memref<4x8192x1024xf32, #tpu.memory_space<hbm>> -> memref<1x32x1024xf32, #tpu.memory_space<hbm>>
    %dma_wait3A_921 = tpu.memref_squeeze %dma_wait3A_920 : memref<1x32x1024xf32, #tpu.memory_space<hbm>> -> memref<32x1024xf32, #tpu.memory_space<hbm>>
    %dma_wait3A_922 = arith.constant 0 : i32
    %dma_wait3A_923 = tpu.memref_slice %arg3[%select_n3A_783, %add3A_735, %dma_wait3A_922] : memref<4x8192x1024xf32, #tpu.memory_space<hbm>> -> memref<1x32x1024xf32, #tpu.memory_space<hbm>>
    %dma_wait3A_924 = tpu.memref_squeeze %dma_wait3A_923 : memref<1x32x1024xf32, #tpu.memory_space<hbm>> -> memref<32x1024xf32, #tpu.memory_space<hbm>>
    %dma_wait3A_925 = arith.constant 0 : i32
    %dma_wait3A_926 = arith.constant 0 : i32
    %dma_wait3A_927 = tpu.memref_slice %arg4[%dma_wait3A_925, %dma_wait3A_926] : memref<56x1024xf32, #tpu.memory_space<vmem>> -> memref<32x1024xf32, #tpu.memory_space<vmem>>
    tpu.wait_dma2 semaphore(%arg8 : memref<!tpu.dma_semaphore, #tpu.memory_space<semaphore_mem>>) src(%dma_wait3A_927 : memref<32x1024xf32, #tpu.memory_space<vmem>>) dst(%dma_wait3A_924 : memref<32x1024xf32, #tpu.memory_space<hbm>>)
    %dma_wait3A_928 = arith.constant 0 : i32
    %dma_wait3A_929 = arith.constant 0 : i32
    %dma_wait3A_930 = tpu.memref_slice %arg4[%dma_wait3A_928, %dma_wait3A_929] : memref<56x1024xf32, #tpu.memory_space<vmem>> -> memref<32x1024xf32, #tpu.memory_space<vmem>>
    %dma_wait3A_931 = arith.constant 0 : i32
    %dma_wait3A_932 = tpu.memref_slice %arg3[%select_n3A_813, %add3A_735, %dma_wait3A_931] : memref<4x8192x1024xf32, #tpu.memory_space<hbm>> -> memref<1x32x1024xf32, #tpu.memory_space<hbm>>
    %dma_wait3A_933 = tpu.memref_squeeze %dma_wait3A_932 : memref<1x32x1024xf32, #tpu.memory_space<hbm>> -> memref<32x1024xf32, #tpu.memory_space<hbm>>
    %dma_wait3A_934 = arith.constant 0 : i32
    %dma_wait3A_935 = tpu.memref_slice %arg3[%select_n3A_813, %add3A_735, %dma_wait3A_934] : memref<4x8192x1024xf32, #tpu.memory_space<hbm>> -> memref<1x32x1024xf32, #tpu.memory_space<hbm>>
    %dma_wait3A_936 = tpu.memref_squeeze %dma_wait3A_935 : memref<1x32x1024xf32, #tpu.memory_space<hbm>> -> memref<32x1024xf32, #tpu.memory_space<hbm>>
    %dma_wait3A_937 = arith.constant 0 : i32
    %dma_wait3A_938 = arith.constant 0 : i32
    %dma_wait3A_939 = tpu.memref_slice %arg4[%dma_wait3A_937, %dma_wait3A_938] : memref<56x1024xf32, #tpu.memory_space<vmem>> -> memref<32x1024xf32, #tpu.memory_space<vmem>>
    tpu.wait_dma2 semaphore(%arg8 : memref<!tpu.dma_semaphore, #tpu.memory_space<semaphore_mem>>) src(%dma_wait3A_939 : memref<32x1024xf32, #tpu.memory_space<vmem>>) dst(%dma_wait3A_936 : memref<32x1024xf32, #tpu.memory_space<hbm>>)
    %dma_wait3A_940 = arith.constant 0 : i32
    %dma_wait3A_941 = arith.constant 0 : i32
    %dma_wait3A_942 = tpu.memref_slice %arg4[%dma_wait3A_940, %dma_wait3A_941] : memref<56x1024xf32, #tpu.memory_space<vmem>> -> memref<32x1024xf32, #tpu.memory_space<vmem>>
    %dma_wait3A_943 = arith.constant 0 : i32
    %dma_wait3A_944 = tpu.memref_slice %arg3[%select_n3A_843, %add3A_735, %dma_wait3A_943] : memref<4x8192x1024xf32, #tpu.memory_space<hbm>> -> memref<1x32x1024xf32, #tpu.memory_space<hbm>>
    %dma_wait3A_945 = tpu.memref_squeeze %dma_wait3A_944 : memref<1x32x1024xf32, #tpu.memory_space<hbm>> -> memref<32x1024xf32, #tpu.memory_space<hbm>>
    %dma_wait3A_946 = arith.constant 0 : i32
    %dma_wait3A_947 = tpu.memref_slice %arg3[%select_n3A_843, %add3A_735, %dma_wait3A_946] : memref<4x8192x1024xf32, #tpu.memory_space<hbm>> -> memref<1x32x1024xf32, #tpu.memory_space<hbm>>
    %dma_wait3A_948 = tpu.memref_squeeze %dma_wait3A_947 : memref<1x32x1024xf32, #tpu.memory_space<hbm>> -> memref<32x1024xf32, #tpu.memory_space<hbm>>
    %dma_wait3A_949 = arith.constant 0 : i32
    %dma_wait3A_950 = arith.constant 0 : i32
    %dma_wait3A_951 = tpu.memref_slice %arg4[%dma_wait3A_949, %dma_wait3A_950] : memref<56x1024xf32, #tpu.memory_space<vmem>> -> memref<32x1024xf32, #tpu.memory_space<vmem>>
    tpu.wait_dma2 semaphore(%arg8 : memref<!tpu.dma_semaphore, #tpu.memory_space<semaphore_mem>>) src(%dma_wait3A_951 : memref<32x1024xf32, #tpu.memory_space<vmem>>) dst(%dma_wait3A_948 : memref<32x1024xf32, #tpu.memory_space<hbm>>)
    return
  }
}

</mosaic_0001>

<sc_bundles>
// kernel: kernel.3.cloned.1.call-start
scs
__scs_entry_jumppad:
0x0: {  	(pc) =	sbr.rel $0x88, $3  }
0x1: {  	(tag) =	ssettag $0x0;
	lr =	simm.s32 $0x1  }
0x2: {  	[smem:$0x3FA0] =	sst lr;
	_ =	strace $0xD0000000  }
0x3: {  	_ = 	snop  }
0x4: {  	_ = 	snop  }
0x5: {  	_ = 	snop  }
0x6: {  	_ = 	snop  }
0x7: {  	_ = 	snop  }
__scs_overlays_trampoline_lowered:
0x8: {  	[smem:$0x3FAF] =	sst s0  }
0x9: {  	[smem:$0x3FB0] =	sst s1  }
0xa: {  	[smem:$0x3FB1] =	sst s2  }
0xb: {  	[smem:$0x3FB2] =	sst s3  }
0xc: {  	[smem:$0x3FB3] =	sst s4  }
0xd: {  	[smem:$0x3FB4] =	sst s5  }
0xe: {  	[smem:$0x3FB5] =	sst s6  }
0xf: {  	[smem:$0x3FB6] =	sst s7  }
0x10: {  	[smem:$0x3FB7] =	sst s8  }
0x11: {  	[smem:$0x3FB8] =	sst s9;
	s0 =	simm.s32 @!p0 $0x0  }
0x12: {  	s1 =	sld [smem:$0x3F9E];
	s0 =	simm.s32 @p0 $0x1  }
0x13: {  	[smem:$0x3FB9] =	sst s0;
	s0 =	simm.s32 @!p1 $0x0  }
0x14: {  	s2 =	sld [smem:$0x3F9D];
	s0 =	simm.s32 @p1 $0x1  }
0x15: {  	[smem:$0x3FBA] =	sst s0;
	s0 =	simm.s32 @!p2 $0x0  }
0x16: {  	s3 =	sld [smem:$0x3FDB];
	s0 =	simm.s32 @p2 $0x1  }
0x17: {  	s4 =	simm.s32 $0x1BF5;
	[smem:$0x3FBC] =	sst s0  }
0x18: {  	s0 =	sld [smem:$0x3F9F];
	_ =	swait.ge [sflag:s4], $0x0  }
0x19: {  	s7 =	sld [smem:$0x3FA0]  }
0x1a: {  	s8 =	sadd.s32 $0xFFFFE003, lr  }
0x1b: {  	s9 =	sadd.s32 $0xFFFFFEF7, lr;
	s5 =	simm.s32 $0xFFFFFFFF;
	p2 =	slt.u32 s8, $0xFFFFF086  }
0x1c: {  	p1 =	slt.u32 s9, $0xF7A;
	s5 =	simm.s32 @!p2 $0x0  }
0x1d: {  	s5 =	simm.s32 @p1 $0x1;
	p0 =	seq.s32 s7, s2  }
0x1e: {  	s7 =	smul.u32 @!p0 $0xF7A, s2;
	p2 =	seq.s32 @!p0 s5, $0x0  }
0x1f: {  	s9 =	smul.u32 $0xF7A, s1;
	s8 =	simm.s32 @!p0 $0x1BF5;
	p2 =	por !p2, p0  }
0x20: {  	[sflag:s8] =	ssyncset.s32 @!p0 $0xFFFFF086;
	s6 =	sadd.s32 @!p0 s3, s7;
	s7 =	simm.s32 @!p0 $0x108  }
0x21: {  	s3 =	sadd.s32 s3, s9;
	s6 =	sadd.s32 @!p0 $0x88, s6;
	s7 =	simm.s32 @p2 $0x1082  }
0x22: {  	[simem:s7], [sflag:s8] =	dma.local @!p0 [hbm:s6], $0xF7A  }
0x23: {  	s9 =	sor.u32 $0xD0000000, s2;
	s6 =	simm.s32 $0x108;
	_ =	swait.ge @!p0 [sflag:s8], $0x0  }
0x24: {  	s3 =	sadd.s32 $0x88, s3;
	s6 =	simm.s32 @!p1 $0x1082;
	[sflag:s4] =	ssyncset.s32 $0xFFFFF086  }
0x25: {  	[simem:s6], [sflag:s4] =	dma.local [hbm:s3], $0xF7A  }
0x26: {  	[smem:$0x3FA0] =	sst s1;
	(tag) =	ssettag s2;
	_ =	strace s9  }
0x27: {  	s1 =	sld [smem:$0x3FB0]  }
0x28: {  	s2 =	sld [smem:$0x3FB1]  }
0x29: {  	s4 =	sld [smem:$0x3FB3]  }
0x2a: {  	p0 =	seq.s32 s5, $0x0;
	s5 =	sld [smem:$0x3FB4]  }
0x2b: {  	s6 =	sld [smem:$0x3FB5]  }
0x2c: {  	s7 =	sld [smem:$0x3FB6]  }
0x2d: {  	s3 =	simm.s32 $0x108;
	s8 =	sld [smem:$0x3FB7]  }
0x2e: {  	s3 =	simm.s32 @!p0 $0x1082;
	s9 =	sld [smem:$0x3FB8]  }
0x2f: {  	lr =	sadd.s32 s0, s3;
	s0 =	sld [smem:$0x3FAF]  }
0x30: {  	s3 =	sld [smem:$0x3FB2]  }
0x31: {  	[smem:$0x3FBB] =	sst s10  }
0x32: {  	s10 =	sld [smem:$0x3FB9];
	_ =	sdelay $0x3  }
0x33: {  	p0 =	seq.s32 s10, $0x1;
	s10 =	sld [smem:$0x3FBB];
	_ =	sdelay $0x3  }
0x34: {  	[smem:$0x3FBB] =	sst s10  }
0x35: {  	s10 =	sld [smem:$0x3FBA];
	_ =	sdelay $0x3  }
0x36: {  	p1 =	seq.s32 s10, $0x1;
	s10 =	sld [smem:$0x3FBB];
	_ =	sdelay $0x3  }
0x37: {  	[smem:$0x3FBB] =	sst s10  }
0x38: {  	s10 =	sld [smem:$0x3FBC]  }
0x39: {  	_ = 	snop;
	(pc) =	sbr.ind lr, $3  }
0x3a: {  	_ = 	snop  }
0x3b: {  	_ = 	snop  }
0x3c: {  	p2 =	seq.s32 s10, $0x1;
	s10 =	sld [smem:$0x3FBB]  }
0x3d: {  	_ =	shalt  }
0x3e: {  	_ =	shalt  }
0x3f: {  	_ =	shalt  }
0x40: {  	_ =	shalt  }
0x41: {  	_ =	shalt  }
0x42: {  	_ =	shalt  }
0x43: {  	_ =	shalt  }
0x44: {  	_ =	shalt  }
0x45: {  	_ =	shalt  }
0x46: {  	_ =	shalt  }
0x47: {  	_ =	shalt  }
0x48: {  	_ =	shalt  }
0x49: {  	_ =	shalt  }
0x4a: {  	_ =	shalt  }
0x4b: {  	_ =	shalt  }
0x4c: {  	_ =	shalt  }
0x4d: {  	_ =	shalt  }
0x4e: {  	_ =	shalt  }
0x4f: {  	_ =	shalt  }
0x50: {  	_ =	shalt  }
0x51: {  	_ =	shalt  }
0x52: {  	_ =	shalt  }
0x53: {  	_ =	shalt  }
0x54: {  	_ =	shalt  }
0x55: {  	_ =	shalt  }
0x56: {  	_ =	shalt  }
0x57: {  	_ =	shalt  }
0x58: {  	_ =	shalt  }
0x59: {  	_ =	shalt  }
0x5a: {  	_ =	shalt  }
0x5b: {  	_ =	shalt  }
0x5c: {  	_ =	shalt  }
0x5d: {  	_ =	shalt  }
0x5e: {  	_ =	shalt  }
0x5f: {  	_ =	shalt  }
0x60: {  	_ =	shalt  }
0x61: {  	_ =	shalt  }
0x62: {  	_ =	shalt  }
0x63: {  	_ =	shalt  }
0x64: {  	_ =	shalt  }
0x65: {  	_ =	shalt  }
0x66: {  	_ =	shalt  }
0x67: {  	_ =	shalt  }
0x68: {  	_ =	shalt  }
0x69: {  	_ =	shalt  }
0x6a: {  	_ =	shalt  }
0x6b: {  	_ =	shalt  }
0x6c: {  	_ =	shalt  }
0x6d: {  	_ =	shalt  }
0x6e: {  	_ =	shalt  }
0x6f: {  	_ =	shalt  }
0x70: {  	_ =	shalt  }
0x71: {  	_ =	shalt  }
0x72: {  	_ =	shalt  }
0x73: {  	_ =	shalt  }
0x74: {  	_ =	shalt  }
0x75: {  	_ =	shalt  }
0x76: {  	_ =	shalt  }
0x77: {  	_ =	shalt  }
0x78: {  	_ =	shalt  }
0x79: {  	_ =	shalt  }
0x7a: {  	_ =	shalt  }
0x7b: {  	_ =	shalt  }
0x7c: {  	_ =	shalt  }
0x7d: {  	_ =	shalt  }
0x7e: {  	_ =	shalt  }
0x7f: {  	_ =	shalt  }
0x80: {  	_ =	shalt  }
0x81: {  	_ =	shalt  }
0x82: {  	_ =	shalt  }
0x83: {  	_ =	shalt  }
0x84: {  	_ =	shalt  }
0x85: {  	_ =	shalt  }
0x86: {  	_ =	shalt  }
0x87: {  	_ =	shalt  }
.Lfunc_end0:
.L_simem_size_0:
called_computation_lowered:
.L_overlay_start_0:
0x88: {  	s2 =	sld [smem:$0x3FD9]  }
0x89: {  	s3 =	sld [smem:$0x3FFE];
	_ =	sdelay $0x1  }
0x8a: {  	s1 =	srdreg.scid  }
0x8b: {  	s0 =	sand.u32 $0x1, s1  }
0x8c: {  	s18 =	sshll.u32 s0, $0xA;
	s2 =	sadd.s32 s3, s2  }
0x8d: {  	s2 =	sadd.s32 s2, s18  }
0x8e: {  	[smem:$0x3FC7] =	sst s2  }
0x8f: {  	_ = 	snop  }
0x90: {  	s2 =	sld [smem:$0x3FC9]  }
0x91: {  	s19 =	sld [smem:$0x3FD0];
	(tm) =	ssettm $0x1  }
0x92: {  	s4 =	sld [smem:$0x3FFB];
	_ =	sdelay $0x3  }
0x93: {  	_ =	strace s4  }
0x94: {  	s4 =	sld [smem:$0x3FFC];
	_ =	sdelay $0x3  }
0x95: {  	_ =	strace s4  }
0x96: {  	s4 =	sld [smem:$0x3FFD];
	_ =	sdelay $0x3  }
0x97: {  	_ =	strace s4  }
0x98: {  	_ =	strace $0x8FFFFFFF  }
0x99: {  	s20 =	sld [smem:$0x3FDB];
	_ =	sdelay $0x1  }
0x9a: {  	s5 =	simm.s32 $_scs_section_size  }
0x9b: {  	s6 =	simm.s32 $_size__tile_overlayer_lowered;
	s7 =	simm.s32 $_tile_overlayer_lowered  }
0x9c: {  	s23 =	simm.s32 $0x1BFF;
	s22 =	sshll.u32 s7, $0x1;
	s4 =	sadd.s32 s5, s20  }
0x9d: {  	s8 =	simm.s32 $0x0;
	s21 =	sshll.u32 s6, $0x1;
	s6 =	sadd.s32 s22, s4  }
0x9e: {  	[timem:s8], [sflag:s23] =	dma.local [hbm:s6], s21  }
0x9f: {  	_ =	swait.ge [sflag:s23], s21  }
0xa0: {  	s5 =	ssub.s32 $0x0, s21;
	[sflag:s23] =	ssyncset.done $0x0  }
0xa1: {  	[sflag:s23] =	ssyncadd.s32 s5;
	_ =	sdelay $0x1  }
0xa2: {  	s24 =	simm.s32 $0x1B8B  }
0xa3: {  	_ =	swait.ge [sflag:s24], $0x1  }
0xa4: {  	[sflag:s24] =	ssyncset.done $0x0  }
0xa5: {  	s25 =	simm.s32 $0x1B8E;
	[sflag:s24] =	ssyncadd.s32 $0xFFFFFFFF  }
0xa6: {  	s26 =	simm.s32 $execute0_lowered;
	[smem:$0x3FD2] =	sst s25  }
0xa7: {  	s5 =	sshll.u32 s26, $0x1;
	_ =	strace $0x80000046;
	[dreg:$0x1] =	wrdreg $0xFFFFFFFF  }
0xa8: {  	s28 =	simm.s32 $_size_execute0_lowered;
	s4 =	sadd.s32 s4, s5;
	[dreg:$0x0] =	wrdreg $0x0  }
0xa9: {  	s5 =	sshll.u32 s28, $0x1;
	[dreg:$0x2] =	wrdreg s4  }
0xaa: {  	[dreg:$0x3] =	wrdreg s5  }
0xab: {  	[dreg:$0x4] =	wrdreg $0xC0  }
0xac: {  	_ =	task [dreg:s8], $0x5FFFF  }
0xad: {  	[dreg:$0x1] =	wrdreg $0xFFFFFFFF  }
0xae: {  	[dreg:$0x0] =	wrdreg $0x60  }
0xaf: {  	[dreg:$0x2] =	wrdreg s2  }
0xb0: {  	[dreg:$0x3] =	wrdreg s19  }
0xb1: {  	[dreg:$0x4] =	wrdreg $0x9  }
0xb2: {  	_ =	task.clear_ibuf [dreg:s8], $0x5FFFF;
	_ =	strace $0x90000046  }
0xb3: {  	s29 =	simm.s32 $0x9;
	_ =	strace $0x80000048  }
0xb4: {  	_ =	swait.ge [sflag:s29], $0x1  }
0xb5: {  	[sflag:s29] =	ssyncadd.s32 $0xFFFFFFFF  }
0xb6: {  	_ =	strace $0x90000048  }
0xb7: {  	_ =	sfence  }
0xb8: {  	s30 =	sld [smem:$0x0];
	_ =	sdelay $0x2  }
0xb9: {  	s31 =	sshll.u32 s1, $0xD;
	s1 =	sshrl.u32 s1, $0x2  }
0xba: {  	s3 =	sand.u32 $0x4000, s31;
	s1 =	sadd.s32 s1, s30  }
0xbb: {  	s0 =	sor.u32 s3, s0;
	s1 =	sshll.u32 s1, $0x11  }
0xbc: {  	s0 =	sor.u32 s1, s0  }
0xbd: {  	s0 =	sadd.s32 $0x8F2B, s0  }
0xbe: {  	[sflag:s0] =	ssyncadd.remote.s32 $0x1  }
0xbf: {  	_ =	sfence.sel $0xFFFF  }
0xc0: {  	[dreg:$0x0] =	wrdreg $0xFFFFFFFF;
	(pc) =	sbr.abs _section_cstart, $3  }
0xc1: {  	[dreg:$0x1] =	wrdreg $0xFFFFFFFF  }
0xc2: {  	_ =	task.clear_ibuf [dreg:s8], $0x2FFFF;
	_ =	strace $0x9FFFFFFF  }
0xc3: {  	(tm) =	ssettm $0x7FFFFFFF  }
tec
execute0_lowered:
.L_overlay_start_1:
0x0: {  	(tag) =	ssettag $0x1  }
0x1: {  	s1 =	rddreg [dreg:$0x0]  }
0x2: {  	s0 =	rddreg [dreg:$0x1];
	s3 =	srdreg.scid  }
0x3: {  	s2 =	simm.s32 $0x0;
	s4 =	stileid.u32;
	s3 =	sand.u32 $0x1, s3  }
0x4: {  	[smem:$0x7FF] =	sst s2;
	s4 =	sshll.u32 s4, $0x1;
	s5 =	ssub.s32 $0x2, s3  }
0x5: {  	_ =	strace $0x80000047;
	s3 =	sor.u32 s3, s4;
	s18 =	sshrl.u32 s5, $0x1  }
0x6: {  	s7 =	sshll.u32 s3, $0x12;
	s6 =	sshll.u32 s3, $0xF;
	s3 =	sshll.u32 s3, $0x17  }
0x7: {  	s4 =	ssub.s32 s5, s18;
	s19 =	sadd.s32 s1, s6;
	s8 =	sor.u32 $0xE000, s7  }
0x8: {  	s9 =	sand.u32 $0x1800000, s3;
	s21 =	sadd.s32 $0x800000, s3;
	[dreg:$0x6] =	wrdreg s4  }
0x9: {  	s3 =	sadd.s32 $0x1800000, s3;
	s13 =	sor.u32 $0x1C000, s7;
	[dreg:$0x3] =	wrdreg s19  }
0xa: {  	s20 =	sshrl.u32 s8, $0x3;
	s23 =	sor.u32 s7, s9;
	s11 =	sand.u32 $0x1800000, s21  }
0xb: {  	s14 =	sxor.u32 $0x1000000, s9;
	s15 =	sand.u32 $0x1800000, s3;
	s22 =	sshrl.u32 s13, $0x3  }
0xc: {  	s18 =	sor.u32 s8, s9;
	s4 =	sadd.s32 s1, s20;
	s12 =	sor.u32 s7, s11  }
0xd: {  	s16 =	sor.u32 s7, s14;
	s17 =	sor.u32 s7, s15;
	s6 =	sadd.s32 s1, s22  }
0xe: {  	s19 =	sor.u32 s8, s11;
	s20 =	sor.u32 $0x2A000, s7;
	s21 =	sor.u32 s8, s14  }
0xf: {  	s7 =	sor.u32 $0x38000, s7;
	s8 =	sor.u32 s8, s15;
	s22 =	sor.u32 s13, s9  }
0x10: {  	s5 =	sor.u32 s13, s11;
	[dreg:$0x4] =	wrdreg s4;
	s24 =	sshrl.u32 s20, $0x3  }
0x11: {  	s25 =	sshrl.u32 s7, $0x3;
	s10 =	sor.u32 s20, s9;
	s26 =	sor.u32 s20, s14  }
0x12: {  	s9 =	sor.u32 s7, s9;
	s8 =	sshrl.u32 s8, $0x3;
	s5 =	sshrl.u32 s5, $0x3  }
0x13: {  	s4 =	sadd.s32 s1, s24;
	s3 =	sadd.s32 s1, s25;
	s1 =	sor.u32 s13, s14  }
0x14: {  	s13 =	sor.u32 s13, s15;
	s24 =	sor.u32 s20, s11;
	[dreg:$0x9] =	wrdreg s26  }
0x15: {  	s20 =	sor.u32 s20, s15;
	s11 =	sor.u32 s7, s11;
	s14 =	sor.u32 s7, s14  }
0x16: {  	s15 =	sor.u32 s7, s15;
	s25 =	sshrl.u32 s18, $0x3;
	[dreg:$0xa] =	wrdreg s24  }
0x17: {  	s26 =	sshrl.u32 s19, $0x3;
	s19 =	sshrl.u32 s10, $0x3;
	[dreg:$0x8] =	wrdreg s20  }
0x18: {  	s10 =	sshrl.u32 s9, $0x3;
	[dreg:$0x7] =	wrdreg s11;
	s11 =	sshrl.u32 s23, $0x3  }
0x19: {  	s20 =	sshrl.u32 s12, $0x3;
	s23 =	sshrl.u32 s16, $0x3;
	s24 =	sshrl.u32 s17, $0x3  }
0x1a: {  	s12 =	sshrl.u32 s22, $0x3;
	s1 =	sshrl.u32 s1, $0x3;
	s17 =	sadd.s32 s0, s5  }
0x1b: {  	s13 =	sshrl.u32 s13, $0x3;
	s7 =	sadd.s32 s0, s19;
	s22 =	rddreg [dreg:$0x9]  }
0x1c: {  	s9 =	sadd.s32 s0, s10;
	s19 =	sshrl.u32 s14, $0x3;
	s28 =	sadd.s32 s0, s11  }
0x1d: {  	s29 =	sadd.s32 s0, s20;
	s30 =	sadd.s32 s0, s23;
	s31 =	sadd.s32 s0, s24  }
0x1e: {  	s23 =	sadd.s32 s0, s25;
	s24 =	sadd.s32 s0, s26;
	s11 =	sshrl.u32 s21, $0x3  }
0x1f: {  	s26 =	sadd.s32 s0, s8;
	s16 =	sadd.s32 s0, s12;
	s21 =	rddreg [dreg:$0xa]  }
0x20: {  	s18 =	sadd.s32 s0, s1;
	s20 =	sadd.s32 s0, s13;
	s12 =	rddreg [dreg:$0x7]  }
0x21: {  	s1 =	sshrl.u32 s22, $0x3;
	s22 =	rddreg [dreg:$0x6];
	s5 =	sshrl.u32 s21, $0x3  }
0x22: {  	s14 =	sadd.s32 s0, s19;
	s8 =	sadd.s32 s0, s5;
	s5 =	rddreg [dreg:$0x8]  }
0x23: {  	s25 =	sadd.s32 s0, s11;
	s11 =	sadd.s32 s0, s1;
	s1 =	sshrl.u32 s5, $0x3  }
0x24: {  	s21 =	sshrl.u32 s15, $0x3;
	s13 =	sadd.s32 s0, s1;
	s1 =	sshrl.u32 s12, $0x3  }
0x25: {  	s15 =	sadd.s32 s0, s21;
	s12 =	sadd.s32 s0, s1;
	s0 =	smax.u32 s22, $0x1  }
0x26: {  	p1 =	sne.s32 s0, $0x1  }
.Ltmp0:
0x27: {  	_ = 	snop;
	(pc) =	sbr.rel @!p1 .LBB2_3-.Ltmp0, $4  }
0x28: {  	_ = 	snop  }
0x29: {  	p0 =	por $0x0, $0x0;
	s10 =	simm.s32 $0x4  }
0x2a: {  	s19 =	simm.s32 $0x1;
	s21 =	simm.s32 $0xE000;
	s5 =	simm.s32 $0x3  }
0x2b: {  	s22 =	simm.s32 $0x2;
	s1 =	rddreg [dreg:$0x3];
	s0 =	sadd.s32 $0xFFFFFFFF, s0  }
0x2c: {  	[dreg:$0x5] =	wrdreg s0  }
0x2d: {  	[tilespmem:s2], [sflag:$0x1] =	stream.linear.gather [hbm4b:s1+s2], $0xE000, $0x38;
	[tilespmem:$0x1C000] =	vst v63  }
0x2e: {  	s0 =	rddreg [dreg:$0x4]  }
0x2f: {  	[tilespmem:s21], [sflag:$0x2] =	stream.linear.gather [hbm4b:s0+s2], $0xE000, $0x38;
	[tilespmem:$0x1C000] =	vst v63  }
0x30: {  	_ =	swait.ge [sflag:s19], $0xE000  }
0x31: {  	[sflag:s19] =	ssyncset.done $0x0  }
0x32: {  	[sflag:s19] =	ssyncadd.s32 $0xFFFF2000  }
0x33: {  	[hbm4b:s28+s2] =	stream.linear.scatter [tilespmem:s2], [sflag:$0x3], $0xE000, $0x38;
	[tilespmem:$0x1C000] =	vst v63  }
0x34: {  	_ = 	snop  }
0x35: {  	[hbm4b:s29+s2] =	stream.linear.scatter [tilespmem:s2], [sflag:$0x3], $0xE000, $0x38;
	[tilespmem:$0x1C000] =	vst v63  }
0x36: {  	_ = 	snop  }
0x37: {  	[hbm4b:s30+s2] =	stream.linear.scatter [tilespmem:s2], [sflag:$0x3], $0xE000, $0x38;
	[tilespmem:$0x1C000] =	vst v63  }
0x38: {  	_ = 	snop  }
0x39: {  	[hbm4b:s31+s2] =	stream.linear.scatter [tilespmem:s2], [sflag:$0x3], $0xE000, $0x38;
	[tilespmem:$0x1C000] =	vst v63  }
0x3a: {  	_ =	swait.ge [sflag:s5], $0xE000  }
0x3b: {  	[sflag:s5] =	ssyncset.done $0x0  }
0x3c: {  	[sflag:s5] =	ssyncadd.s32 $0xFFFF2000  }
0x3d: {  	_ =	swait.ge [sflag:s5], $0xE000  }
0x3e: {  	[sflag:s5] =	ssyncset.done $0x0  }
0x3f: {  	[sflag:s5] =	ssyncadd.s32 $0xFFFF2000  }
0x40: {  	_ =	swait.ge [sflag:s5], $0xE000  }
0x41: {  	[sflag:s5] =	ssyncset.done $0x0  }
0x42: {  	[sflag:s5] =	ssyncadd.s32 $0xFFFF2000  }
0x43: {  	_ =	swait.ge [sflag:s5], $0xE000  }
0x44: {  	[sflag:s5] =	ssyncset.done $0x0  }
0x45: {  	[sflag:s5] =	ssyncadd.s32 $0xFFFF2000  }
0x46: {  	[tilespmem:s2], [sflag:$0x1] =	stream.linear.gather [hbm4b:s6+s2], $0xE000, $0x38;
	[tilespmem:$0x1C000] =	vst v63  }
0x47: {  	_ =	swait.ge [sflag:s22], $0xE000  }
0x48: {  	[sflag:s22] =	ssyncset.done $0x0  }
0x49: {  	[sflag:s22] =	ssyncadd.s32 $0xFFFF2000  }
0x4a: {  	[hbm4b:s23+s2] =	stream.linear.scatter [tilespmem:s21], [sflag:$0x4], $0xE000, $0x38;
	[tilespmem:$0x1C000] =	vst v63  }
0x4b: {  	_ = 	snop  }
0x4c: {  	[hbm4b:s24+s2] =	stream.linear.scatter [tilespmem:s21], [sflag:$0x4], $0xE000, $0x38;
	[tilespmem:$0x1C000] =	vst v63  }
0x4d: {  	_ = 	snop  }
0x4e: {  	[hbm4b:s25+s2] =	stream.linear.scatter [tilespmem:s21], [sflag:$0x4], $0xE000, $0x38;
	[tilespmem:$0x1C000] =	vst v63  }
0x4f: {  	_ = 	snop  }
0x50: {  	[hbm4b:s26+s2] =	stream.linear.scatter [tilespmem:s21], [sflag:$0x4], $0xE000, $0x38;
	[tilespmem:$0x1C000] =	vst v63  }
0x51: {  	_ =	swait.ge [sflag:s10], $0xE000  }
0x52: {  	[sflag:s10] =	ssyncset.done $0x0  }
0x53: {  	[sflag:s10] =	ssyncadd.s32 $0xFFFF2000  }
0x54: {  	_ =	swait.ge [sflag:s10], $0xE000  }
0x55: {  	[sflag:s10] =	ssyncset.done $0x0  }
0x56: {  	[sflag:s10] =	ssyncadd.s32 $0xFFFF2000  }
0x57: {  	_ =	swait.ge [sflag:s10], $0xE000  }
0x58: {  	[sflag:s10] =	ssyncset.done $0x0  }
0x59: {  	[sflag:s10] =	ssyncadd.s32 $0xFFFF2000  }
0x5a: {  	_ =	swait.ge [sflag:s10], $0xE000  }
0x5b: {  	[sflag:s10] =	ssyncset.done $0x0  }
0x5c: {  	[sflag:s10] =	ssyncadd.s32 $0xFFFF2000  }
0x5d: {  	[tilespmem:s21], [sflag:$0x2] =	stream.linear.gather [hbm4b:s4+s2], $0xE000, $0x38;
	[tilespmem:$0x1C000] =	vst v63  }
0x5e: {  	_ =	swait.ge [sflag:s19], $0xE000  }
0x5f: {  	[sflag:s19] =	ssyncset.done $0x0  }
0x60: {  	[sflag:s19] =	ssyncadd.s32 $0xFFFF2000  }
0x61: {  	[hbm4b:s16+s2] =	stream.linear.scatter [tilespmem:s2], [sflag:$0x3], $0xE000, $0x38;
	[tilespmem:$0x1C000] =	vst v63  }
0x62: {  	_ = 	snop  }
0x63: {  	[hbm4b:s17+s2] =	stream.linear.scatter [tilespmem:s2], [sflag:$0x3], $0xE000, $0x38;
	[tilespmem:$0x1C000] =	vst v63  }
0x64: {  	_ = 	snop  }
0x65: {  	[hbm4b:s18+s2] =	stream.linear.scatter [tilespmem:s2], [sflag:$0x3], $0xE000, $0x38;
	[tilespmem:$0x1C000] =	vst v63  }
0x66: {  	_ = 	snop  }
0x67: {  	[hbm4b:s20+s2] =	stream.linear.scatter [tilespmem:s2], [sflag:$0x3], $0xE000, $0x38;
	[tilespmem:$0x1C000] =	vst v63  }
0x68: {  	_ =	swait.ge [sflag:s5], $0xE000  }
0x69: {  	[sflag:s5] =	ssyncset.done $0x0  }
0x6a: {  	[sflag:s5] =	ssyncadd.s32 $0xFFFF2000  }
0x6b: {  	_ =	swait.ge [sflag:s5], $0xE000  }
0x6c: {  	[sflag:s5] =	ssyncset.done $0x0  }
0x6d: {  	[sflag:s5] =	ssyncadd.s32 $0xFFFF2000  }
0x6e: {  	_ =	swait.ge [sflag:s5], $0xE000  }
0x6f: {  	[sflag:s5] =	ssyncset.done $0x0  }
0x70: {  	[sflag:s5] =	ssyncadd.s32 $0xFFFF2000  }
0x71: {  	_ =	swait.ge [sflag:s5], $0xE000  }
0x72: {  	[sflag:s5] =	ssyncset.done $0x0  }
0x73: {  	[sflag:s5] =	ssyncadd.s32 $0xFFFF2000  }
0x74: {  	[tilespmem:s2], [sflag:$0x1] =	stream.linear.gather [hbm4b:s3+s2], $0x8000, $0x38;
	[tilespmem:$0x1C000] =	vst v63  }
0x75: {  	_ =	swait.ge [sflag:s22], $0xE000  }
0x76: {  	[sflag:s22] =	ssyncset.done $0x0  }
0x77: {  	[sflag:s22] =	ssyncadd.s32 $0xFFFF2000  }
0x78: {  	[hbm4b:s7+s2] =	stream.linear.scatter [tilespmem:s21], [sflag:$0x4], $0xE000, $0x38;
	[tilespmem:$0x1C000] =	vst v63  }
0x79: {  	_ = 	snop  }
0x7a: {  	[hbm4b:s8+s2] =	stream.linear.scatter [tilespmem:s21], [sflag:$0x4], $0xE000, $0x38;
	[tilespmem:$0x1C000] =	vst v63  }
0x7b: {  	_ = 	snop  }
0x7c: {  	[hbm4b:s11+s2] =	stream.linear.scatter [tilespmem:s21], [sflag:$0x4], $0xE000, $0x38;
	[tilespmem:$0x1C000] =	vst v63  }
0x7d: {  	_ = 	snop  }
0x7e: {  	[hbm4b:s13+s2] =	stream.linear.scatter [tilespmem:s21], [sflag:$0x4], $0xE000, $0x38;
	[tilespmem:$0x1C000] =	vst v63  }
0x7f: {  	_ =	swait.ge [sflag:s19], $0x8000  }
0x80: {  	[sflag:s19] =	ssyncset.done $0x0  }
0x81: {  	[sflag:s19] =	ssyncadd.s32 $0xFFFF8000  }
0x82: {  	[hbm4b:s9+s2] =	stream.linear.scatter [tilespmem:s2], [sflag:$0x3], $0x8000, $0x38;
	[tilespmem:$0x1C000] =	vst v63  }
0x83: {  	_ = 	snop  }
0x84: {  	[hbm4b:s12+s2] =	stream.linear.scatter [tilespmem:s2], [sflag:$0x3], $0x8000, $0x38;
	[tilespmem:$0x1C000] =	vst v63  }
0x85: {  	_ = 	snop  }
0x86: {  	[hbm4b:s14+s2] =	stream.linear.scatter [tilespmem:s2], [sflag:$0x3], $0x8000, $0x38;
	[tilespmem:$0x1C000] =	vst v63  }
0x87: {  	_ = 	snop  }
0x88: {  	[hbm4b:s15+s2] =	stream.linear.scatter [tilespmem:s2], [sflag:$0x3], $0x8000, $0x38;
	[tilespmem:$0x1C000] =	vst v63  }
0x89: {  	_ =	swait.ge [sflag:s10], $0xE000  }
0x8a: {  	[sflag:s10] =	ssyncset.done $0x0  }
0x8b: {  	[sflag:s10] =	ssyncadd.s32 $0xFFFF2000  }
0x8c: {  	_ =	swait.ge [sflag:s10], $0xE000  }
0x8d: {  	[sflag:s10] =	ssyncset.done $0x0  }
0x8e: {  	[sflag:s10] =	ssyncadd.s32 $0xFFFF2000  }
0x8f: {  	_ =	swait.ge [sflag:s10], $0xE000  }
0x90: {  	[sflag:s10] =	ssyncset.done $0x0  }
0x91: {  	[sflag:s10] =	ssyncadd.s32 $0xFFFF2000  }
0x92: {  	_ =	swait.ge [sflag:s10], $0xE000  }
0x93: {  	[sflag:s10] =	ssyncset.done $0x0  }
0x94: {  	[sflag:s10] =	ssyncadd.s32 $0xFFFF2000  }
0x95: {  	_ =	swait.ge [sflag:s5], $0x8000  }
0x96: {  	[sflag:s5] =	ssyncset.done $0x0  }
0x97: {  	[sflag:s5] =	ssyncadd.s32 $0xFFFF8000  }
0x98: {  	_ =	swait.ge [sflag:s5], $0x8000  }
0x99: {  	[sflag:s5] =	ssyncset.done $0x0  }
0x9a: {  	[sflag:s5] =	ssyncadd.s32 $0xFFFF8000  }
0x9b: {  	_ =	swait.ge [sflag:s5], $0x8000  }
0x9c: {  	s1 =	rddreg [dreg:$0x5]  }
0x9d: {  	p1 =	sne.s32 s1, $0x1  }
.Ltmp1:
0x9e: {  	_ = 	snop;
	(pc) =	sbr.rel @!p1 .LBB2_3-.Ltmp1, $4  }
0x9f: {  	[sflag:s5] =	ssyncset.done $0x0  }
0xa0: {  	[sflag:s5] =	ssyncadd.s32 $0xFFFF8000  }
0xa1: {  	p0 =	por $0x1, $0x1;
	_ =	swait.ge [sflag:s5], $0x8000  }
0xa2: {  	s0 =	sadd.s32 $0xFFFFFFFF, s1;
	s1 =	rddreg [dreg:$0x3];
	[sflag:s5] =	ssyncset.done $0x0  }
.LBB2_2:
0xa3: {  	[sflag:s5] =	ssyncadd.s32 $0xFFFF8000  }
0xa4: {  	s22 =	smov.u32 s31;
	s31 =	smov.u32 s30;
	s30 =	smov.u32 s29  }
0xa5: {  	s29 =	smov.u32 s28;
	s28 =	smov.u32 s26;
	s26 =	smov.u32 s25  }
0xa6: {  	s25 =	smov.u32 s24;
	s24 =	smov.u32 s23;
	s23 =	smov.u32 s20  }
0xa7: {  	s20 =	smov.u32 s18;
	s18 =	smov.u32 s17;
	s17 =	smov.u32 s16  }
0xa8: {  	s16 =	smov.u32 s15;
	s15 =	smov.u32 s14;
	s14 =	smov.u32 s13  }
0xa9: {  	s13 =	smov.u32 s12;
	s12 =	smov.u32 s11;
	s11 =	smov.u32 s9  }
0xaa: {  	s9 =	smov.u32 s8;
	s8 =	smov.u32 s7;
	s7 =	smov.u32 s6  }
0xab: {  	[tilespmem:s2], [sflag:$0x1] =	stream.linear.gather [hbm4b:s1+s2], $0xE000, $0x38;
	[tilespmem:$0x1C000] =	vst v63  }
0xac: {  	s6 =	smov.u32 s4;
	s4 =	smov.u32 s3;
	s3 =	rddreg [dreg:$0x4]  }
0xad: {  	[tilespmem:s21], [sflag:$0x2] =	stream.linear.gather [hbm4b:s3+s2], $0xE000, $0x38;
	[tilespmem:$0x1C000] =	vst v63  }
0xae: {  	s3 =	smov.u32 s4;
	s4 =	smov.u32 s6  }
0xaf: {  	s6 =	smov.u32 s7;
	s7 =	smov.u32 s8;
	s8 =	smov.u32 s9  }
0xb0: {  	s9 =	smov.u32 s11;
	s11 =	smov.u32 s12;
	s12 =	smov.u32 s13  }
0xb1: {  	s13 =	smov.u32 s14;
	s14 =	smov.u32 s15;
	s15 =	smov.u32 s16  }
0xb2: {  	s16 =	smov.u32 s17;
	s17 =	smov.u32 s18;
	s18 =	smov.u32 s20  }
0xb3: {  	s20 =	smov.u32 s23;
	s23 =	smov.u32 s24;
	_ =	swait.ge [sflag:s19], $0xE000  }
0xb4: {  	s24 =	smov.u32 s25;
	s25 =	smov.u32 s26;
	[sflag:s19] =	ssyncset.done $0x0  }
0xb5: {  	s26 =	smov.u32 s28;
	s28 =	smov.u32 s29;
	[sflag:s19] =	ssyncadd.s32 $0xFFFF2000  }
0xb6: {  	[hbm4b:s28+s2] =	stream.linear.scatter [tilespmem:s2], [sflag:$0x3], $0xE000, $0x38;
	[tilespmem:$0x1C000] =	vst v63  }
0xb7: {  	s29 =	smov.u32 s30  }
0xb8: {  	[hbm4b:s29+s2] =	stream.linear.scatter [tilespmem:s2], [sflag:$0x3], $0xE000, $0x38;
	[tilespmem:$0x1C000] =	vst v63  }
0xb9: {  	s30 =	smov.u32 s31  }
0xba: {  	[hbm4b:s30+s2] =	stream.linear.scatter [tilespmem:s2], [sflag:$0x3], $0xE000, $0x38;
	[tilespmem:$0x1C000] =	vst v63  }
0xbb: {  	s31 =	smov.u32 s22  }
0xbc: {  	[hbm4b:s31+s2] =	stream.linear.scatter [tilespmem:s2], [sflag:$0x3], $0xE000, $0x38;
	[tilespmem:$0x1C000] =	vst v63  }
0xbd: {  	_ =	swait.ge [sflag:s5], $0xE000  }
0xbe: {  	[sflag:s5] =	ssyncset.done $0x0  }
0xbf: {  	[sflag:s5] =	ssyncadd.s32 $0xFFFF2000  }
0xc0: {  	_ =	swait.ge [sflag:s5], $0xE000  }
0xc1: {  	[sflag:s5] =	ssyncset.done $0x0  }
0xc2: {  	[sflag:s5] =	ssyncadd.s32 $0xFFFF2000  }
0xc3: {  	_ =	swait.ge [sflag:s5], $0xE000  }
0xc4: {  	[sflag:s5] =	ssyncset.done $0x0  }
0xc5: {  	[sflag:s5] =	ssyncadd.s32 $0xFFFF2000  }
0xc6: {  	_ =	swait.ge [sflag:s5], $0xE000  }
0xc7: {  	[sflag:s5] =	ssyncset.done $0x0  }
0xc8: {  	s22 =	simm.s32 $0x2;
	[sflag:s5] =	ssyncadd.s32 $0xFFFF2000  }
0xc9: {  	[tilespmem:s2], [sflag:$0x1] =	stream.linear.gather [hbm4b:s6+s2], $0xE000, $0x38;
	[tilespmem:$0x1C000] =	vst v63  }
0xca: {  	_ =	swait.ge [sflag:s22], $0xE000  }
0xcb: {  	[sflag:s22] =	ssyncset.done $0x0  }
0xcc: {  	[sflag:s22] =	ssyncadd.s32 $0xFFFF2000  }
0xcd: {  	[hbm4b:s23+s2] =	stream.linear.scatter [tilespmem:s21], [sflag:$0x4], $0xE000, $0x38;
	[tilespmem:$0x1C000] =	vst v63  }
0xce: {  	_ = 	snop  }
0xcf: {  	[hbm4b:s24+s2] =	stream.linear.scatter [tilespmem:s21], [sflag:$0x4], $0xE000, $0x38;
	[tilespmem:$0x1C000] =	vst v63  }
0xd0: {  	_ = 	snop  }
0xd1: {  	[hbm4b:s25+s2] =	stream.linear.scatter [tilespmem:s21], [sflag:$0x4], $0xE000, $0x38;
	[tilespmem:$0x1C000] =	vst v63  }
0xd2: {  	_ = 	snop  }
0xd3: {  	[hbm4b:s26+s2] =	stream.linear.scatter [tilespmem:s21], [sflag:$0x4], $0xE000, $0x38;
	[tilespmem:$0x1C000] =	vst v63  }
0xd4: {  	_ =	swait.ge [sflag:s10], $0xE000  }
0xd5: {  	[sflag:s10] =	ssyncset.done $0x0  }
0xd6: {  	[sflag:s10] =	ssyncadd.s32 $0xFFFF2000  }
0xd7: {  	_ =	swait.ge [sflag:s10], $0xE000  }
0xd8: {  	[sflag:s10] =	ssyncset.done $0x0  }
0xd9: {  	[sflag:s10] =	ssyncadd.s32 $0xFFFF2000  }
0xda: {  	_ =	swait.ge [sflag:s10], $0xE000  }
0xdb: {  	[sflag:s10] =	ssyncset.done $0x0  }
0xdc: {  	[sflag:s10] =	ssyncadd.s32 $0xFFFF2000  }
0xdd: {  	_ =	swait.ge [sflag:s10], $0xE000  }
0xde: {  	[sflag:s10] =	ssyncset.done $0x0  }
0xdf: {  	[sflag:s10] =	ssyncadd.s32 $0xFFFF2000  }
0xe0: {  	[tilespmem:s21], [sflag:$0x2] =	stream.linear.gather [hbm4b:s4+s2], $0xE000, $0x38;
	[tilespmem:$0x1C000] =	vst v63  }
0xe1: {  	_ =	swait.ge [sflag:s19], $0xE000  }
0xe2: {  	[sflag:s19] =	ssyncset.done $0x0  }
0xe3: {  	[sflag:s19] =	ssyncadd.s32 $0xFFFF2000  }
0xe4: {  	[hbm4b:s16+s2] =	stream.linear.scatter [tilespmem:s2], [sflag:$0x3], $0xE000, $0x38;
	[tilespmem:$0x1C000] =	vst v63  }
0xe5: {  	_ = 	snop  }
0xe6: {  	[hbm4b:s17+s2] =	stream.linear.scatter [tilespmem:s2], [sflag:$0x3], $0xE000, $0x38;
	[tilespmem:$0x1C000] =	vst v63  }
0xe7: {  	_ = 	snop  }
0xe8: {  	[hbm4b:s18+s2] =	stream.linear.scatter [tilespmem:s2], [sflag:$0x3], $0xE000, $0x38;
	[tilespmem:$0x1C000] =	vst v63  }
0xe9: {  	_ = 	snop  }
0xea: {  	[hbm4b:s20+s2] =	stream.linear.scatter [tilespmem:s2], [sflag:$0x3], $0xE000, $0x38;
	[tilespmem:$0x1C000] =	vst v63  }
0xeb: {  	_ =	swait.ge [sflag:s5], $0xE000  }
0xec: {  	[sflag:s5] =	ssyncset.done $0x0  }
0xed: {  	[sflag:s5] =	ssyncadd.s32 $0xFFFF2000  }
0xee: {  	_ =	swait.ge [sflag:s5], $0xE000  }
0xef: {  	[sflag:s5] =	ssyncset.done $0x0  }
0xf0: {  	[sflag:s5] =	ssyncadd.s32 $0xFFFF2000  }
0xf1: {  	_ =	swait.ge [sflag:s5], $0xE000  }
0xf2: {  	[sflag:s5] =	ssyncset.done $0x0  }
0xf3: {  	[sflag:s5] =	ssyncadd.s32 $0xFFFF2000  }
0xf4: {  	_ =	swait.ge [sflag:s5], $0xE000  }
0xf5: {  	[sflag:s5] =	ssyncset.done $0x0  }
0xf6: {  	[sflag:s5] =	ssyncadd.s32 $0xFFFF2000  }
0xf7: {  	[tilespmem:s2], [sflag:$0x1] =	stream.linear.gather [hbm4b:s3+s2], $0x8000, $0x38;
	[tilespmem:$0x1C000] =	vst v63  }
0xf8: {  	_ =	swait.ge [sflag:s22], $0xE000  }
0xf9: {  	[sflag:s22] =	ssyncset.done $0x0  }
0xfa: {  	[sflag:s22] =	ssyncadd.s32 $0xFFFF2000  }
0xfb: {  	[hbm4b:s7+s2] =	stream.linear.scatter [tilespmem:s21], [sflag:$0x4], $0xE000, $0x38;
	[tilespmem:$0x1C000] =	vst v63  }
0xfc: {  	_ = 	snop  }
0xfd: {  	[hbm4b:s8+s2] =	stream.linear.scatter [tilespmem:s21], [sflag:$0x4], $0xE000, $0x38;
	[tilespmem:$0x1C000] =	vst v63  }
0xfe: {  	_ = 	snop  }
0xff: {  	[hbm4b:s11+s2] =	stream.linear.scatter [tilespmem:s21], [sflag:$0x4], $0xE000, $0x38;
	[tilespmem:$0x1C000] =	vst v63  }
0x100: {  	_ = 	snop  }
0x101: {  	[hbm4b:s13+s2] =	stream.linear.scatter [tilespmem:s21], [sflag:$0x4], $0xE000, $0x38;
	[tilespmem:$0x1C000] =	vst v63  }
0x102: {  	_ =	swait.ge [sflag:s19], $0x8000  }
0x103: {  	[sflag:s19] =	ssyncset.done $0x0  }
0x104: {  	[sflag:s19] =	ssyncadd.s32 $0xFFFF8000  }
0x105: {  	[hbm4b:s9+s2] =	stream.linear.scatter [tilespmem:s2], [sflag:$0x3], $0x8000, $0x38;
	[tilespmem:$0x1C000] =	vst v63  }
0x106: {  	_ = 	snop  }
0x107: {  	[hbm4b:s12+s2] =	stream.linear.scatter [tilespmem:s2], [sflag:$0x3], $0x8000, $0x38;
	[tilespmem:$0x1C000] =	vst v63  }
0x108: {  	_ = 	snop  }
0x109: {  	[hbm4b:s14+s2] =	stream.linear.scatter [tilespmem:s2], [sflag:$0x3], $0x8000, $0x38;
	[tilespmem:$0x1C000] =	vst v63  }
0x10a: {  	_ = 	snop  }
0x10b: {  	[hbm4b:s15+s2] =	stream.linear.scatter [tilespmem:s2], [sflag:$0x3], $0x8000, $0x38;
	[tilespmem:$0x1C000] =	vst v63  }
0x10c: {  	_ =	swait.ge [sflag:s10], $0xE000  }
0x10d: {  	[sflag:s10] =	ssyncset.done $0x0  }
0x10e: {  	[sflag:s10] =	ssyncadd.s32 $0xFFFF2000  }
0x10f: {  	_ =	swait.ge [sflag:s10], $0xE000  }
0x110: {  	[sflag:s10] =	ssyncset.done $0x0  }
0x111: {  	[sflag:s10] =	ssyncadd.s32 $0xFFFF2000  }
0x112: {  	_ =	swait.ge [sflag:s10], $0xE000  }
0x113: {  	[sflag:s10] =	ssyncset.done $0x0  }
0x114: {  	[sflag:s10] =	ssyncadd.s32 $0xFFFF2000  }
0x115: {  	_ =	swait.ge [sflag:s10], $0xE000  }
0x116: {  	[sflag:s10] =	ssyncset.done $0x0  }
0x117: {  	[sflag:s10] =	ssyncadd.s32 $0xFFFF2000  }
0x118: {  	_ =	swait.ge [sflag:s5], $0x8000  }
0x119: {  	[sflag:s5] =	ssyncset.done $0x0  }
0x11a: {  	[sflag:s5] =	ssyncadd.s32 $0xFFFF8000  }
0x11b: {  	_ =	swait.ge [sflag:s5], $0x8000  }
0x11c: {  	[sflag:s5] =	ssyncset.done $0x0  }
0x11d: {  	p1 =	sne.s32 s0, $0x1;
	[sflag:s5] =	ssyncadd.s32 $0xFFFF8000  }
.Ltmp2:
0x11e: {  	_ =	swait.ge [sflag:s5], $0x8000;
	(pc) =	sbr.rel @p1 .LBB2_2-.Ltmp2, $4  }
0x11f: {  	[sflag:s5] =	ssyncset.done $0x0  }
0x120: {  	[sflag:s5] =	ssyncadd.s32 $0xFFFF8000  }
0x121: {  	_ =	swait.ge [sflag:s5], $0x8000  }
0x122: {  	s0 =	sadd.s32 $0xFFFFFFFF, s0;
	s1 =	rddreg [dreg:$0x3];
	[sflag:s5] =	ssyncset.done $0x0  }
.LBB2_3:
0x123: {  	[sflag:s5] =	ssyncadd.s32 @p0 $0xFFFF8000  }
0x124: {  	[tilespmem:s2], [sflag:$0x1] =	stream.linear.gather [hbm4b:s1+s2], $0xE000, $0x38;
	[tilespmem:$0x1C000] =	vst v63  }
0x125: {  	s0 =	rddreg [dreg:$0x4]  }
0x126: {  	[tilespmem:s21], [sflag:$0x2] =	stream.linear.gather [hbm4b:s0+s2], $0xE000, $0x38;
	[tilespmem:$0x1C000] =	vst v63  }
0x127: {  	_ =	swait.ge [sflag:s19], $0xE000  }
0x128: {  	[sflag:s19] =	ssyncset.done $0x0  }
0x129: {  	[sflag:s19] =	ssyncadd.s32 $0xFFFF2000  }
0x12a: {  	[hbm4b:s28+s2] =	stream.linear.scatter [tilespmem:s2], [sflag:$0x3], $0xE000, $0x38;
	[tilespmem:$0x1C000] =	vst v63  }
0x12b: {  	_ = 	snop  }
0x12c: {  	[hbm4b:s29+s2] =	stream.linear.scatter [tilespmem:s2], [sflag:$0x3], $0xE000, $0x38;
	[tilespmem:$0x1C000] =	vst v63  }
0x12d: {  	_ = 	snop  }
0x12e: {  	[hbm4b:s30+s2] =	stream.linear.scatter [tilespmem:s2], [sflag:$0x3], $0xE000, $0x38;
	[tilespmem:$0x1C000] =	vst v63  }
0x12f: {  	_ = 	snop  }
0x130: {  	[hbm4b:s31+s2] =	stream.linear.scatter [tilespmem:s2], [sflag:$0x3], $0xE000, $0x38;
	[tilespmem:$0x1C000] =	vst v63  }
0x131: {  	_ =	swait.ge [sflag:s5], $0xE000  }
0x132: {  	[sflag:s5] =	ssyncset.done $0x0  }
0x133: {  	[sflag:s5] =	ssyncadd.s32 $0xFFFF2000  }
0x134: {  	_ =	swait.ge [sflag:s5], $0xE000  }
0x135: {  	[sflag:s5] =	ssyncset.done $0x0  }
0x136: {  	[sflag:s5] =	ssyncadd.s32 $0xFFFF2000  }
0x137: {  	_ =	swait.ge [sflag:s5], $0xE000  }
0x138: {  	[sflag:s5] =	ssyncset.done $0x0  }
0x139: {  	[sflag:s5] =	ssyncadd.s32 $0xFFFF2000  }
0x13a: {  	_ =	swait.ge [sflag:s5], $0xE000  }
0x13b: {  	[sflag:s5] =	ssyncset.done $0x0  }
0x13c: {  	[sflag:s5] =	ssyncadd.s32 $0xFFFF2000  }
0x13d: {  	[tilespmem:s2], [sflag:$0x1] =	stream.linear.gather [hbm4b:s6+s2], $0xE000, $0x38;
	[tilespmem:$0x1C000] =	vst v63  }
0x13e: {  	_ =	swait.ge [sflag:s22], $0xE000  }
0x13f: {  	[sflag:s22] =	ssyncset.done $0x0  }
0x140: {  	[sflag:s22] =	ssyncadd.s32 $0xFFFF2000  }
0x141: {  	[hbm4b:s23+s2] =	stream.linear.scatter [tilespmem:s21], [sflag:$0x4], $0xE000, $0x38;
	[tilespmem:$0x1C000] =	vst v63  }
0x142: {  	_ = 	snop  }
0x143: {  	[hbm4b:s24+s2] =	stream.linear.scatter [tilespmem:s21], [sflag:$0x4], $0xE000, $0x38;
	[tilespmem:$0x1C000] =	vst v63  }
0x144: {  	_ = 	snop  }
0x145: {  	[hbm4b:s25+s2] =	stream.linear.scatter [tilespmem:s21], [sflag:$0x4], $0xE000, $0x38;
	[tilespmem:$0x1C000] =	vst v63  }
0x146: {  	_ = 	snop  }
0x147: {  	[hbm4b:s26+s2] =	stream.linear.scatter [tilespmem:s21], [sflag:$0x4], $0xE000, $0x38;
	[tilespmem:$0x1C000] =	vst v63  }
0x148: {  	_ =	swait.ge [sflag:s10], $0xE000  }
0x149: {  	[sflag:s10] =	ssyncset.done $0x0  }
0x14a: {  	[sflag:s10] =	ssyncadd.s32 $0xFFFF2000  }
0x14b: {  	_ =	swait.ge [sflag:s10], $0xE000  }
0x14c: {  	[sflag:s10] =	ssyncset.done $0x0  }
0x14d: {  	[sflag:s10] =	ssyncadd.s32 $0xFFFF2000  }
0x14e: {  	_ =	swait.ge [sflag:s10], $0xE000  }
0x14f: {  	[sflag:s10] =	ssyncset.done $0x0  }
0x150: {  	[sflag:s10] =	ssyncadd.s32 $0xFFFF2000  }
0x151: {  	_ =	swait.ge [sflag:s10], $0xE000  }
0x152: {  	[sflag:s10] =	ssyncset.done $0x0  }
0x153: {  	[sflag:s10] =	ssyncadd.s32 $0xFFFF2000  }
0x154: {  	[tilespmem:s21], [sflag:$0x2] =	stream.linear.gather [hbm4b:s4+s2], $0xE000, $0x38;
	[tilespmem:$0x1C000] =	vst v63  }
0x155: {  	_ =	swait.ge [sflag:s19], $0xE000  }
0x156: {  	[sflag:s19] =	ssyncset.done $0x0  }
0x157: {  	[sflag:s19] =	ssyncadd.s32 $0xFFFF2000  }
0x158: {  	[hbm4b:s16+s2] =	stream.linear.scatter [tilespmem:s2], [sflag:$0x3], $0xE000, $0x38;
	[tilespmem:$0x1C000] =	vst v63  }
0x159: {  	_ = 	snop  }
0x15a: {  	[hbm4b:s17+s2] =	stream.linear.scatter [tilespmem:s2], [sflag:$0x3], $0xE000, $0x38;
	[tilespmem:$0x1C000] =	vst v63  }
0x15b: {  	_ = 	snop  }
0x15c: {  	[hbm4b:s18+s2] =	stream.linear.scatter [tilespmem:s2], [sflag:$0x3], $0xE000, $0x38;
	[tilespmem:$0x1C000] =	vst v63  }
0x15d: {  	_ = 	snop  }
0x15e: {  	[hbm4b:s20+s2] =	stream.linear.scatter [tilespmem:s2], [sflag:$0x3], $0xE000, $0x38;
	[tilespmem:$0x1C000] =	vst v63  }
0x15f: {  	_ =	swait.ge [sflag:s5], $0xE000  }
0x160: {  	[sflag:s5] =	ssyncset.done $0x0  }
0x161: {  	[sflag:s5] =	ssyncadd.s32 $0xFFFF2000  }
0x162: {  	_ =	swait.ge [sflag:s5], $0xE000  }
0x163: {  	[sflag:s5] =	ssyncset.done $0x0  }
0x164: {  	[sflag:s5] =	ssyncadd.s32 $0xFFFF2000  }
0x165: {  	_ =	swait.ge [sflag:s5], $0xE000  }
0x166: {  	[sflag:s5] =	ssyncset.done $0x0  }
0x167: {  	[sflag:s5] =	ssyncadd.s32 $0xFFFF2000  }
0x168: {  	_ =	swait.ge [sflag:s5], $0xE000  }
0x169: {  	[sflag:s5] =	ssyncset.done $0x0  }
0x16a: {  	[sflag:s5] =	ssyncadd.s32 $0xFFFF2000  }
0x16b: {  	[tilespmem:s2], [sflag:$0x1] =	stream.linear.gather [hbm4b:s3+s2], $0x8000, $0x38;
	[tilespmem:$0x1C000] =	vst v63  }
0x16c: {  	_ =	swait.ge [sflag:s22], $0xE000  }
0x16d: {  	[sflag:s22] =	ssyncset.done $0x0  }
0x16e: {  	[sflag:s22] =	ssyncadd.s32 $0xFFFF2000  }
0x16f: {  	[hbm4b:s7+s2] =	stream.linear.scatter [tilespmem:s21], [sflag:$0x4], $0xE000, $0x38;
	[tilespmem:$0x1C000] =	vst v63  }
0x170: {  	_ = 	snop  }
0x171: {  	[hbm4b:s8+s2] =	stream.linear.scatter [tilespmem:s21], [sflag:$0x4], $0xE000, $0x38;
	[tilespmem:$0x1C000] =	vst v63  }
0x172: {  	_ = 	snop  }
0x173: {  	[hbm4b:s11+s2] =	stream.linear.scatter [tilespmem:s21], [sflag:$0x4], $0xE000, $0x38;
	[tilespmem:$0x1C000] =	vst v63  }
0x174: {  	_ = 	snop  }
0x175: {  	[hbm4b:s13+s2] =	stream.linear.scatter [tilespmem:s21], [sflag:$0x4], $0xE000, $0x38;
	[tilespmem:$0x1C000] =	vst v63  }
0x176: {  	_ =	swait.ge [sflag:s19], $0x8000  }
0x177: {  	[sflag:s19] =	ssyncset.done $0x0  }
0x178: {  	[sflag:s19] =	ssyncadd.s32 $0xFFFF8000  }
0x179: {  	[hbm4b:s9+s2] =	stream.linear.scatter [tilespmem:s2], [sflag:$0x3], $0x8000, $0x38;
	[tilespmem:$0x1C000] =	vst v63  }
0x17a: {  	_ = 	snop  }
0x17b: {  	[hbm4b:s12+s2] =	stream.linear.scatter [tilespmem:s2], [sflag:$0x3], $0x8000, $0x38;
	[tilespmem:$0x1C000] =	vst v63  }
0x17c: {  	_ = 	snop  }
0x17d: {  	[hbm4b:s14+s2] =	stream.linear.scatter [tilespmem:s2], [sflag:$0x3], $0x8000, $0x38;
	[tilespmem:$0x1C000] =	vst v63  }
0x17e: {  	_ = 	snop  }
0x17f: {  	[hbm4b:s15+s2] =	stream.linear.scatter [tilespmem:s2], [sflag:$0x3], $0x8000, $0x38;
	[tilespmem:$0x1C000] =	vst v63  }
0x180: {  	_ =	swait.ge [sflag:s10], $0xE000  }
0x181: {  	[sflag:s10] =	ssyncset.done $0x0  }
0x182: {  	[sflag:s10] =	ssyncadd.s32 $0xFFFF2000  }
0x183: {  	_ =	swait.ge [sflag:s10], $0xE000  }
0x184: {  	[sflag:s10] =	ssyncset.done $0x0  }
0x185: {  	[sflag:s10] =	ssyncadd.s32 $0xFFFF2000  }
0x186: {  	_ =	swait.ge [sflag:s10], $0xE000  }
0x187: {  	[sflag:s10] =	ssyncset.done $0x0  }
0x188: {  	[sflag:s10] =	ssyncadd.s32 $0xFFFF2000  }
0x189: {  	_ =	swait.ge [sflag:s10], $0xE000  }
0x18a: {  	[sflag:s10] =	ssyncset.done $0x0  }
0x18b: {  	[sflag:s10] =	ssyncadd.s32 $0xFFFF2000  }
0x18c: {  	_ =	swait.ge [sflag:s5], $0x8000  }
0x18d: {  	[sflag:s5] =	ssyncset.done $0x0  }
0x18e: {  	[sflag:s5] =	ssyncadd.s32 $0xFFFF8000  }
0x18f: {  	_ =	swait.ge [sflag:s5], $0x8000  }
0x190: {  	[sflag:s5] =	ssyncset.done $0x0  }
0x191: {  	[sflag:s5] =	ssyncadd.s32 $0xFFFF8000  }
0x192: {  	_ =	swait.ge [sflag:s5], $0x8000  }
0x193: {  	[sflag:s5] =	ssyncset.done $0x0  }
0x194: {  	[sflag:s5] =	ssyncadd.s32 $0xFFFF8000  }
0x195: {  	_ =	swait.ge [sflag:s5], $0x8000  }
0x196: {  	[sflag:s5] =	ssyncset.done $0x0  }
0x197: {  	[sflag:s5] =	ssyncadd.s32 $0xFFFF8000  }
0x198: {  	_ =	sfence.sel $0x180000  }
0x199: {  	[bflag:$0x0] =	sbarrier.arrive $0xFFFF  }
0x19a: {  	_ =	strace $0x90000047  }
0x19b: {  	s31 =	stileid.u32;
	[bflag:$0x2] =	sbarrier.arrive $0xFFFF  }
0x19c: {  	p0 =	sne.s32 s31, $0x0;
	s0 =	rddreg [dreg:$0x2]  }
0x19d: {  	s0 =	sadd.s32 @!p0 $0x100000, s0  }
0x19e: {  	[sflag:s0] =	ssyncadd.tile.s32 @!p0 $0x1;
	_ =	shalt  }
.Lfunc_end2:
_tile_overlayer_lowered:
.L_overlay_start_2:
0x19f: {  	(tag) =	ssettag $0x2  }
0x1a0: {  	s0 =	rddreg [dreg:$0x0];
	s2 =	stileid.u32  }
0x1a1: {  	s1 =	rddreg [dreg:$0x1];
	p0 =	sne.s32 s2, $0x0  }
0x1a2: {  	s3 =	rddreg [dreg:$0x2];
	[bflag:$0x3] =	sbarrier.arrive $0xFFFF;
	s2 =	simm.s32 @!p0 $0x1C05  }
0x1a3: {  	[timem:s3], [sflag:s2] =	dma.local @!p0 [hbm:s0], s1  }
0x1a4: {  	s0 =	simm.s32 @!p0 $0x5  }
0x1a5: {  	_ =	swait.ge @!p0 [sflag:s0], s1  }
0x1a6: {  	s1 =	ssub.s32 @!p0 $0x0, s1;
	[sflag:s0] =	ssyncset.done @!p0 $0x0  }
0x1a7: {  	[sflag:s0] =	ssyncadd.s32 @!p0 s1  }
0x1a8: {  	[bflag:$0x3] =	sbarrier.arrive $0xFFFF  }
0x1a9: {  	_ =	shalt  }

</sc_bundles>
